<compile_context>
chip_gen: v7x
topology: tpu7x:2x2x1
jax: 0.10.2.dev20260603
libtpu: 0.0.44.dev20260713+nightly
codegen_flags: <defaults>
</compile_context>

<pallas_src>
import functools

import jax
import jax.numpy as jnp
from jax import lax
from jax.experimental import pallas as pl
from jax.experimental.pallas import tpu as pltpu
from jax.experimental.pallas import tpu_sc as plsc

_MAXD = 2048
_N = 4096
_T = 2 * _MAXD - 1
_EREV = 8192
_NW = 32
_ROWS = _N // _NW
_BLK = 8
_NBLK = _ROWS // _BLK
_NBUF = 3
_GSH = 6144
_NPH = 4
_BIGW = 8336


def _body(g_hbm, out_hbm, gsh, rowbuf, ldsem, stsem, mirsem):
    sid = lax.axis_index("s")
    wid = lax.axis_index("c") * 16 + sid
    i0 = wid * _ROWS
    start_min = (_N - _ROWS) - i0

    colbase = (1 - lax.axis_index("c")) * (_N // 2)
    per_ph = _NBLK // _NPH

    lds, sts = [], []

    def _scatter(b):
        return pltpu.async_copy(
            rowbuf.at[b % _NBUF],
            out_hbm.at[pl.ds(i0 + _BLK * b, _BLK), :],
            stsem,
        )

    for phase in range(_NPH):

        @pl.when(sid < per_ph)
        def _load_phase():
            pltpu.async_copy(
                g_hbm.at[phase * per_ph + sid, :, pl.ds(colbase, _GSH)],
                gsh.at[sid],
                mirsem,
            ).wait()

        plsc.subcore_barrier()
        for bb in range(per_ph):
            b = phase * per_ph + bb
            if b >= _NBUF:
                sts[b - _NBUF].wait()
            lds.append(
                pltpu.async_copy(
                    gsh.at[bb, :, pl.ds(start_min - colbase, _N)],
                    rowbuf.at[b % _NBUF],
                    ldsem,
                )
            )
            if b >= 1 and len(sts) == b - 1:
                lds[b - 1].wait()
                sts.append(_scatter(b - 1))
        if phase < _NPH - 1:
            last = (phase + 1) * per_ph - 1
            lds[last].wait()
            sts.append(_scatter(last))
            plsc.subcore_barrier()
    lds[_NBLK - 1].wait()
    sts.append(_scatter(_NBLK - 1))
    for h in sts[_NBLK - _NBUF:]:
        h.wait()


def _toeplitz_rows(g):
    mesh = plsc.VectorSubcoreMesh(core_axis_name="c", subcore_axis_name="s")
    f = functools.partial(
        pl.kernel,
        mesh=mesh,
        out_type=jax.ShapeDtypeStruct((_N, _N), jnp.float32),
        scratch_types=[
            pltpu.VMEM_SHARED((_NBLK // _NPH, _BLK, _GSH), jnp.float32),
            pltpu.VMEM((_NBUF, _BLK, _N), jnp.float32),
            pltpu.SemaphoreType.DMA,
            pltpu.SemaphoreType.DMA,
            pltpu.SemaphoreType.DMA,
        ],
        compiler_params=pltpu.CompilerParams(
            disable_bounds_checks=True,
            disable_semaphore_checks=True,
        ),
    )(_body)
    return f(g)


def kernel(bias_table, query_len, cond_len):
    d = jnp.asarray(query_len, jnp.int32) - jnp.asarray(cond_len, jnp.int32)
    base = jnp.pad(jnp.flip(bias_table), (_N, _N), mode="edge")
    dc = jnp.clip(d, -1900, 1900)
    big = lax.dynamic_slice(base, (_MAXD - dc,), (_BIGW,))
    g8r = jnp.stack([big[7 - gg : 7 - gg + _BIGW - 8] for gg in range(_BLK)])
    gm = jnp.stack(
        [g8r[:, 24 - 8 * b0 : 24 - 8 * b0 + _EREV + 96] for b0 in range(4)]
    )
    g = jnp.stack(
        [gm[:, :, 96 - 32 * b1 : 96 - 32 * b1 + _EREV] for b1 in range(4)]
    ).reshape(_NBLK, _BLK, _EREV)
    return _toeplitz_rows(g)

# --- scband reference (transcript-rebuilt; emitter-appended) ---
"""Pipeline reference for scband-relative-position-bias-11708080849561 (READ-ONLY COPY).

The authoritative reference and input builder live on the scoring server;
editing this copy changes nothing except your own understanding.
"""

import jax, jax.numpy as jnp
import numpy as np

MAX_DISTANCE = 2048


def setup_inputs(seed: int = 0) -> dict:
    key = jax.random.key(seed)
    bias_table = jax.random.normal(key, (2 * MAX_DISTANCE - 1,), dtype=jnp.float32) * 0.02
    return {"bias_table": bias_table, "query_len": 4096, "cond_len": 4096}


def reference(bias_table, query_len, cond_len):
    q_ids = (jnp.arange(4096) + (query_len - 4096))[:, None]
    k_ids = (jnp.arange(4096) + (cond_len - 4096))[None, :]
    rel = q_ids - k_ids
    rel = jnp.clip(rel, -MAX_DISTANCE + 1, MAX_DISTANCE - 1)
    rel_index = rel + MAX_DISTANCE - 1
    bias = jnp.take(bias_table, rel_index, axis=0)
    return bias

if __name__ == "__main__":
    import jax
    _d = setup_inputs()
    print(jax.jit(kernel)(*tuple(_d.values())))

</pallas_src>

<mosaic_0001>
#map = affine_map<(d0, d1) -> (0, 0, 0)>
#map1 = affine_map<(d0, d1) -> (0, 0)>
module attributes {stable_mosaic.version = 14 : i64} {
  func.func @_body(%arg0: i32, %arg1: i32, %arg2: memref<16x8x8192xf32, #tpu.memory_space<hbm>>, %arg3: memref<4096x4096xf32, #tpu.memory_space<hbm>>, %arg4: memref<4x8x6144xf32, #tpu.memory_space<vmem_shared>>, %arg5: memref<3x8x4096xf32, #tpu.memory_space<vmem>>, %arg6: memref<!tpu.dma_semaphore, #tpu.memory_space<semaphore_mem>>, %arg7: memref<!tpu.dma_semaphore, #tpu.memory_space<semaphore_mem>>, %arg8: memref<!tpu.dma_semaphore, #tpu.memory_space<semaphore_mem>>) attributes {dimension_semantics = [#tpu.dimension_semantics<core_parallel>, #tpu.dimension_semantics<subcore_parallel>], iteration_bounds = array<i64: 2, 16>, scalar_prefetch = 0 : i64, scratch_operands = 5 : i64, tpu.core_type = #tpu.core_type<sc_vector_subcore>, window_params = [{transform_indices = #map}, {transform_indices = #map1}]} {
    %mul3A = arith.constant 16 : i32
    %mul3A_0 = arith.muli %arg0, %mul3A : i32
    %add3A = arith.addi %mul3A_0, %arg1 : i32
    %mul3A_1 = arith.constant 128 : i32
    %mul3A_2 = arith.muli %add3A, %mul3A_1 : i32
    %sub3A = arith.constant 3968 : i32
    %sub3A_3 = arith.subi %sub3A, %mul3A_2 : i32
    %sub3A_4 = arith.constant 1 : i32
    %sub3A_5 = arith.subi %sub3A_4, %arg0 : i32
    %mul3A_6 = arith.constant 2048 : i32
    %mul3A_7 = arith.muli %sub3A_5, %mul3A_6 : i32
    %lt3A = arith.constant 4 : i32
    %lt3A_8 = arith.cmpi slt, %arg1, %lt3A : i32
    %convert_element_type3A = arith.extui %lt3A_8 : i1 to i32
    %cond3A = arith.constant 0 : i32
    %cond3A_9 = arith.cmpi ne, %convert_element_type3A, %cond3A : i32
    scf.if %cond3A_9 {
      %add3A_1005 = arith.constant 0 : i32
      %add3A_1006 = arith.addi %add3A_1005, %arg1 : i32
      %dma_start3A_1007 = arith.constant 0 : i32
      %dma_start3A_1008 = arith.constant 0 : i32
      %dma_start3A_1009 = tpu.memref_slice %arg4[%arg1, %dma_start3A_1007, %dma_start3A_1008] : memref<4x8x6144xf32, #tpu.memory_space<vmem_shared>> -> memref<1x8x6144xf32, #tpu.memory_space<vmem_shared>>
      %dma_start3A_1010 = tpu.memref_squeeze %dma_start3A_1009 : memref<1x8x6144xf32, #tpu.memory_space<vmem_shared>> -> memref<8x6144xf32, #tpu.memory_space<vmem_shared>>
      %dma_start3A_1011 = arith.constant 0 : i32
      %dma_start3A_1012 = tpu.memref_slice %arg2[%add3A_1006, %dma_start3A_1011, %mul3A_7] : memref<16x8x8192xf32, #tpu.memory_space<hbm>> -> memref<1x8x6144xf32, #tpu.memory_space<hbm>>
      %dma_start3A_1013 = tpu.memref_squeeze %dma_start3A_1012 : memref<1x8x6144xf32, #tpu.memory_space<hbm>> -> memref<8x6144xf32, #tpu.memory_space<hbm>>
      tpu.enqueue_dma source(%dma_start3A_1013 : memref<8x6144xf32, #tpu.memory_space<hbm>>) target(%dma_start3A_1010 : memref<8x6144xf32, #tpu.memory_space<vmem_shared>>) target_semaphore(%arg8 : memref<!tpu.dma_semaphore, #tpu.memory_space<semaphore_mem>>)
      %dma_wait3A_1014 = arith.constant 0 : i32
      %dma_wait3A_1015 = arith.constant 0 : i32
      %dma_wait3A_1016 = tpu.memref_slice %arg4[%arg1, %dma_wait3A_1014, %dma_wait3A_1015] : memref<4x8x6144xf32, #tpu.memory_space<vmem_shared>> -> memref<1x8x6144xf32, #tpu.memory_space<vmem_shared>>
      %dma_wait3A_1017 = tpu.memref_squeeze %dma_wait3A_1016 : memref<1x8x6144xf32, #tpu.memory_space<vmem_shared>> -> memref<8x6144xf32, #tpu.memory_space<vmem_shared>>
      %dma_wait3A_1018 = arith.constant 0 : i32
      %dma_wait3A_1019 = tpu.memref_slice %arg2[%add3A_1006, %dma_wait3A_1018, %mul3A_7] : memref<16x8x8192xf32, #tpu.memory_space<hbm>> -> memref<1x8x6144xf32, #tpu.memory_space<hbm>>
      %dma_wait3A_1020 = tpu.memref_squeeze %dma_wait3A_1019 : memref<1x8x6144xf32, #tpu.memory_space<hbm>> -> memref<8x6144xf32, #tpu.memory_space<hbm>>
      tpu.wait_dma2 semaphore(%arg8 : memref<!tpu.dma_semaphore, #tpu.memory_space<semaphore_mem>>) src(%dma_wait3A_1020 : memref<8x6144xf32, #tpu.memory_space<hbm>>) dst(%dma_wait3A_1017 : memref<8x6144xf32, #tpu.memory_space<vmem_shared>>)
    } else {
    }
    %barrier3A = arith.constant 0 : index
    tpu.barrier barrier_id(%barrier3A)
    %sub3A_10 = arith.subi %sub3A_3, %mul3A_7 : i32
    %dma_start3A = arith.constant 0 : i32
    %dma_start3A_11 = arith.constant 0 : i32
    %dma_start3A_12 = arith.constant 0 : i32
    %dma_start3A_13 = arith.constant 0 : i32
    %dma_start3A_14 = tpu.memref_slice %arg5[%dma_start3A_11, %dma_start3A_12, %dma_start3A_13] : memref<3x8x4096xf32, #tpu.memory_space<vmem>> -> memref<1x8x4096xf32, #tpu.memory_space<vmem>>
    %dma_start3A_15 = tpu.memref_squeeze %dma_start3A_14 : memref<1x8x4096xf32, #tpu.memory_space<vmem>> -> memref<8x4096xf32, #tpu.memory_space<vmem>>
    %dma_start3A_16 = arith.constant 0 : i32
    %dma_start3A_17 = tpu.memref_slice %arg4[%dma_start3A, %dma_start3A_16, %sub3A_10] : memref<4x8x6144xf32, #tpu.memory_space<vmem_shared>> -> memref<1x8x4096xf32, #tpu.memory_space<vmem_shared>>
    %dma_start3A_18 = tpu.memref_squeeze %dma_start3A_17 : memref<1x8x4096xf32, #tpu.memory_space<vmem_shared>> -> memref<8x4096xf32, #tpu.memory_space<vmem_shared>>
    %dma_start3A_19 = arith.constant 0 : i32
    %dma_start3A_20 = arith.constant 0 : i32
    %dma_start3A_21 = tpu.memref_slice %arg5[%dma_start3A_11, %dma_start3A_19, %dma_start3A_20] : memref<3x8x4096xf32, #tpu.memory_space<vmem>> -> memref<1x8x4096xf32, #tpu.memory_space<vmem>>
    %dma_start3A_22 = tpu.memref_squeeze %dma_start3A_21 : memref<1x8x4096xf32, #tpu.memory_space<vmem>> -> memref<8x4096xf32, #tpu.memory_space<vmem>>
    %dma_start3A_23 = arith.constant 0 : i32
    %dma_start3A_24 = tpu.memref_slice %arg4[%dma_start3A, %dma_start3A_23, %sub3A_10] : memref<4x8x6144xf32, #tpu.memory_space<vmem_shared>> -> memref<1x8x4096xf32, #tpu.memory_space<vmem_shared>>
    %dma_start3A_25 = tpu.memref_squeeze %dma_start3A_24 : memref<1x8x4096xf32, #tpu.memory_space<vmem_shared>> -> memref<8x4096xf32, #tpu.memory_space<vmem_shared>>
    tpu.enqueue_dma source(%dma_start3A_25 : memref<8x4096xf32, #tpu.memory_space<vmem_shared>>) target(%dma_start3A_22 : memref<8x4096xf32, #tpu.memory_space<vmem>>) target_semaphore(%arg6 : memref<!tpu.dma_semaphore, #tpu.memory_space<semaphore_mem>>)
    %sub3A_26 = arith.subi %sub3A_3, %mul3A_7 : i32
    %dma_start3A_27 = arith.constant 1 : i32
    %dma_start3A_28 = arith.constant 1 : i32
    %dma_start3A_29 = arith.constant 0 : i32
    %dma_start3A_30 = arith.constant 0 : i32
    %dma_start3A_31 = tpu.memref_slice %arg5[%dma_start3A_28, %dma_start3A_29, %dma_start3A_30] : memref<3x8x4096xf32, #tpu.memory_space<vmem>> -> memref<1x8x4096xf32, #tpu.memory_space<vmem>>
    %dma_start3A_32 = tpu.memref_squeeze %dma_start3A_31 : memref<1x8x4096xf32, #tpu.memory_space<vmem>> -> memref<8x4096xf32, #tpu.memory_space<vmem>>
    %dma_start3A_33 = arith.constant 0 : i32
    %dma_start3A_34 = tpu.memref_slice %arg4[%dma_start3A_27, %dma_start3A_33, %sub3A_26] : memref<4x8x6144xf32, #tpu.memory_space<vmem_shared>> -> memref<1x8x4096xf32, #tpu.memory_space<vmem_shared>>
    %dma_start3A_35 = tpu.memref_squeeze %dma_start3A_34 : memref<1x8x4096xf32, #tpu.memory_space<vmem_shared>> -> memref<8x4096xf32, #tpu.memory_space<vmem_shared>>
    %dma_start3A_36 = arith.constant 0 : i32
    %dma_start3A_37 = arith.constant 0 : i32
    %dma_start3A_38 = tpu.memref_slice %arg5[%dma_start3A_28, %dma_start3A_36, %dma_start3A_37] : memref<3x8x4096xf32, #tpu.memory_space<vmem>> -> memref<1x8x4096xf32, #tpu.memory_space<vmem>>
    %dma_start3A_39 = tpu.memref_squeeze %dma_start3A_38 : memref<1x8x4096xf32, #tpu.memory_space<vmem>> -> memref<8x4096xf32, #tpu.memory_space<vmem>>
    %dma_start3A_40 = arith.constant 0 : i32
    %dma_start3A_41 = tpu.memref_slice %arg4[%dma_start3A_27, %dma_start3A_40, %sub3A_26] : memref<4x8x6144xf32, #tpu.memory_space<vmem_shared>> -> memref<1x8x4096xf32, #tpu.memory_space<vmem_shared>>
    %dma_start3A_42 = tpu.memref_squeeze %dma_start3A_41 : memref<1x8x4096xf32, #tpu.memory_space<vmem_shared>> -> memref<8x4096xf32, #tpu.memory_space<vmem_shared>>
    tpu.enqueue_dma source(%dma_start3A_42 : memref<8x4096xf32, #tpu.memory_space<vmem_shared>>) target(%dma_start3A_39 : memref<8x4096xf32, #tpu.memory_space<vmem>>) target_semaphore(%arg6 : memref<!tpu.dma_semaphore, #tpu.memory_space<semaphore_mem>>)
    %dma_wait3A = arith.constant 0 : i32
    %dma_wait3A_43 = arith.constant 0 : i32
    %dma_wait3A_44 = arith.constant 0 : i32
    %dma_wait3A_45 = arith.constant 0 : i32
    %dma_wait3A_46 = tpu.memref_slice %arg5[%dma_wait3A_43, %dma_wait3A_44, %dma_wait3A_45] : memref<3x8x4096xf32, #tpu.memory_space<vmem>> -> memref<1x8x4096xf32, #tpu.memory_space<vmem>>
    %dma_wait3A_47 = tpu.memref_squeeze %dma_wait3A_46 : memref<1x8x4096xf32, #tpu.memory_space<vmem>> -> memref<8x4096xf32, #tpu.memory_space<vmem>>
    %dma_wait3A_48 = arith.constant 0 : i32
    %dma_wait3A_49 = tpu.memref_slice %arg4[%dma_wait3A, %dma_wait3A_48, %sub3A_10] : memref<4x8x6144xf32, #tpu.memory_space<vmem_shared>> -> memref<1x8x4096xf32, #tpu.memory_space<vmem_shared>>
    %dma_wait3A_50 = tpu.memref_squeeze %dma_wait3A_49 : memref<1x8x4096xf32, #tpu.memory_space<vmem_shared>> -> memref<8x4096xf32, #tpu.memory_space<vmem_shared>>
    %dma_wait3A_51 = arith.constant 0 : i32
    %dma_wait3A_52 = arith.constant 0 : i32
    %dma_wait3A_53 = tpu.memref_slice %arg5[%dma_wait3A_43, %dma_wait3A_51, %dma_wait3A_52] : memref<3x8x4096xf32, #tpu.memory_space<vmem>> -> memref<1x8x4096xf32, #tpu.memory_space<vmem>>
    %dma_wait3A_54 = tpu.memref_squeeze %dma_wait3A_53 : memref<1x8x4096xf32, #tpu.memory_space<vmem>> -> memref<8x4096xf32, #tpu.memory_space<vmem>>
    %dma_wait3A_55 = arith.constant 0 : i32
    %dma_wait3A_56 = tpu.memref_slice %arg4[%dma_wait3A, %dma_wait3A_55, %sub3A_10] : memref<4x8x6144xf32, #tpu.memory_space<vmem_shared>> -> memref<1x8x4096xf32, #tpu.memory_space<vmem_shared>>
    %dma_wait3A_57 = tpu.memref_squeeze %dma_wait3A_56 : memref<1x8x4096xf32, #tpu.memory_space<vmem_shared>> -> memref<8x4096xf32, #tpu.memory_space<vmem_shared>>
    tpu.wait_dma2 semaphore(%arg6 : memref<!tpu.dma_semaphore, #tpu.memory_space<semaphore_mem>>) src(%dma_wait3A_57 : memref<8x4096xf32, #tpu.memory_space<vmem_shared>>) dst(%dma_wait3A_54 : memref<8x4096xf32, #tpu.memory_space<vmem>>)
    %add3A_58 = arith.constant 0 : i32
    %add3A_59 = arith.addi %mul3A_2, %add3A_58 : i32
    %dma_start3A_60 = arith.constant 0 : i32
    %dma_start3A_61 = arith.constant 0 : i32
    %dma_start3A_62 = arith.constant 0 : i32
    %dma_start3A_63 = tpu.memref_slice %arg5[%dma_start3A_60, %dma_start3A_61, %dma_start3A_62] : memref<3x8x4096xf32, #tpu.memory_space<vmem>> -> memref<1x8x4096xf32, #tpu.memory_space<vmem>>
    %dma_start3A_64 = tpu.memref_squeeze %dma_start3A_63 : memref<1x8x4096xf32, #tpu.memory_space<vmem>> -> memref<8x4096xf32, #tpu.memory_space<vmem>>
    %dma_start3A_65 = arith.constant 0 : i32
    %dma_start3A_66 = tpu.memref_slice %arg3[%add3A_59, %dma_start3A_65] : memref<4096x4096xf32, #tpu.memory_space<hbm>> -> memref<8x4096xf32, #tpu.memory_space<hbm>>
    %dma_start3A_67 = arith.constant 0 : i32
    %dma_start3A_68 = tpu.memref_slice %arg3[%add3A_59, %dma_start3A_67] : memref<4096x4096xf32, #tpu.memory_space<hbm>> -> memref<8x4096xf32, #tpu.memory_space<hbm>>
    %dma_start3A_69 = arith.constant 0 : i32
    %dma_start3A_70 = arith.constant 0 : i32
    %dma_start3A_71 = tpu.memref_slice %arg5[%dma_start3A_60, %dma_start3A_69, %dma_start3A_70] : memref<3x8x4096xf32, #tpu.memory_space<vmem>> -> memref<1x8x4096xf32, #tpu.memory_space<vmem>>
    %dma_start3A_72 = tpu.memref_squeeze %dma_start3A_71 : memref<1x8x4096xf32, #tpu.memory_space<vmem>> -> memref<8x4096xf32, #tpu.memory_space<vmem>>
    tpu.enqueue_dma source(%dma_start3A_72 : memref<8x4096xf32, #tpu.memory_space<vmem>>) target(%dma_start3A_68 : memref<8x4096xf32, #tpu.memory_space<hbm>>) target_semaphore(%arg7 : memref<!tpu.dma_semaphore, #tpu.memory_space<semaphore_mem>>)
    %sub3A_73 = arith.subi %sub3A_3, %mul3A_7 : i32
    %dma_start3A_74 = arith.constant 2 : i32
    %dma_start3A_75 = arith.constant 2 : i32
    %dma_start3A_76 = arith.constant 0 : i32
    %dma_start3A_77 = arith.constant 0 : i32
    %dma_start3A_78 = tpu.memref_slice %arg5[%dma_start3A_75, %dma_start3A_76, %dma_start3A_77] : memref<3x8x4096xf32, #tpu.memory_space<vmem>> -> memref<1x8x4096xf32, #tpu.memory_space<vmem>>
    %dma_start3A_79 = tpu.memref_squeeze %dma_start3A_78 : memref<1x8x4096xf32, #tpu.memory_space<vmem>> -> memref<8x4096xf32, #tpu.memory_space<vmem>>
    %dma_start3A_80 = arith.constant 0 : i32
    %dma_start3A_81 = tpu.memref_slice %arg4[%dma_start3A_74, %dma_start3A_80, %sub3A_73] : memref<4x8x6144xf32, #tpu.memory_space<vmem_shared>> -> memref<1x8x4096xf32, #tpu.memory_space<vmem_shared>>
    %dma_start3A_82 = tpu.memref_squeeze %dma_start3A_81 : memref<1x8x4096xf32, #tpu.memory_space<vmem_shared>> -> memref<8x4096xf32, #tpu.memory_space<vmem_shared>>
    %dma_start3A_83 = arith.constant 0 : i32
    %dma_start3A_84 = arith.constant 0 : i32
    %dma_start3A_85 = tpu.memref_slice %arg5[%dma_start3A_75, %dma_start3A_83, %dma_start3A_84] : memref<3x8x4096xf32, #tpu.memory_space<vmem>> -> memref<1x8x4096xf32, #tpu.memory_space<vmem>>
    %dma_start3A_86 = tpu.memref_squeeze %dma_start3A_85 : memref<1x8x4096xf32, #tpu.memory_space<vmem>> -> memref<8x4096xf32, #tpu.memory_space<vmem>>
    %dma_start3A_87 = arith.constant 0 : i32
    %dma_start3A_88 = tpu.memref_slice %arg4[%dma_start3A_74, %dma_start3A_87, %sub3A_73] : memref<4x8x6144xf32, #tpu.memory_space<vmem_shared>> -> memref<1x8x4096xf32, #tpu.memory_space<vmem_shared>>
    %dma_start3A_89 = tpu.memref_squeeze %dma_start3A_88 : memref<1x8x4096xf32, #tpu.memory_space<vmem_shared>> -> memref<8x4096xf32, #tpu.memory_space<vmem_shared>>
    tpu.enqueue_dma source(%dma_start3A_89 : memref<8x4096xf32, #tpu.memory_space<vmem_shared>>) target(%dma_start3A_86 : memref<8x4096xf32, #tpu.memory_space<vmem>>) target_semaphore(%arg6 : memref<!tpu.dma_semaphore, #tpu.memory_space<semaphore_mem>>)
    %dma_wait3A_90 = arith.constant 1 : i32
    %dma_wait3A_91 = arith.constant 1 : i32
    %dma_wait3A_92 = arith.constant 0 : i32
    %dma_wait3A_93 = arith.constant 0 : i32
    %dma_wait3A_94 = tpu.memref_slice %arg5[%dma_wait3A_91, %dma_wait3A_92, %dma_wait3A_93] : memref<3x8x4096xf32, #tpu.memory_space<vmem>> -> memref<1x8x4096xf32, #tpu.memory_space<vmem>>
    %dma_wait3A_95 = tpu.memref_squeeze %dma_wait3A_94 : memref<1x8x4096xf32, #tpu.memory_space<vmem>> -> memref<8x4096xf32, #tpu.memory_space<vmem>>
    %dma_wait3A_96 = arith.constant 0 : i32
    %dma_wait3A_97 = tpu.memref_slice %arg4[%dma_wait3A_90, %dma_wait3A_96, %sub3A_26] : memref<4x8x6144xf32, #tpu.memory_space<vmem_shared>> -> memref<1x8x4096xf32, #tpu.memory_space<vmem_shared>>
    %dma_wait3A_98 = tpu.memref_squeeze %dma_wait3A_97 : memref<1x8x4096xf32, #tpu.memory_space<vmem_shared>> -> memref<8x4096xf32, #tpu.memory_space<vmem_shared>>
    %dma_wait3A_99 = arith.constant 0 : i32
    %dma_wait3A_100 = arith.constant 0 : i32
    %dma_wait3A_101 = tpu.memref_slice %arg5[%dma_wait3A_91, %dma_wait3A_99, %dma_wait3A_100] : memref<3x8x4096xf32, #tpu.memory_space<vmem>> -> memref<1x8x4096xf32, #tpu.memory_space<vmem>>
    %dma_wait3A_102 = tpu.memref_squeeze %dma_wait3A_101 : memref<1x8x4096xf32, #tpu.memory_space<vmem>> -> memref<8x4096xf32, #tpu.memory_space<vmem>>
    %dma_wait3A_103 = arith.constant 0 : i32
    %dma_wait3A_104 = tpu.memref_slice %arg4[%dma_wait3A_90, %dma_wait3A_103, %sub3A_26] : memref<4x8x6144xf32, #tpu.memory_space<vmem_shared>> -> memref<1x8x4096xf32, #tpu.memory_space<vmem_shared>>
    %dma_wait3A_105 = tpu.memref_squeeze %dma_wait3A_104 : memref<1x8x4096xf32, #tpu.memory_space<vmem_shared>> -> memref<8x4096xf32, #tpu.memory_space<vmem_shared>>
    tpu.wait_dma2 semaphore(%arg6 : memref<!tpu.dma_semaphore, #tpu.memory_space<semaphore_mem>>) src(%dma_wait3A_105 : memref<8x4096xf32, #tpu.memory_space<vmem_shared>>) dst(%dma_wait3A_102 : memref<8x4096xf32, #tpu.memory_space<vmem>>)
    %add3A_106 = arith.constant 8 : i32
    %add3A_107 = arith.addi %mul3A_2, %add3A_106 : i32
    %dma_start3A_108 = arith.constant 1 : i32
    %dma_start3A_109 = arith.constant 0 : i32
    %dma_start3A_110 = arith.constant 0 : i32
    %dma_start3A_111 = tpu.memref_slice %arg5[%dma_start3A_108, %dma_start3A_109, %dma_start3A_110] : memref<3x8x4096xf32, #tpu.memory_space<vmem>> -> memref<1x8x4096xf32, #tpu.memory_space<vmem>>
    %dma_start3A_112 = tpu.memref_squeeze %dma_start3A_111 : memref<1x8x4096xf32, #tpu.memory_space<vmem>> -> memref<8x4096xf32, #tpu.memory_space<vmem>>
    %dma_start3A_113 = arith.constant 0 : i32
    %dma_start3A_114 = tpu.memref_slice %arg3[%add3A_107, %dma_start3A_113] : memref<4096x4096xf32, #tpu.memory_space<hbm>> -> memref<8x4096xf32, #tpu.memory_space<hbm>>
    %dma_start3A_115 = arith.constant 0 : i32
    %dma_start3A_116 = tpu.memref_slice %arg3[%add3A_107, %dma_start3A_115] : memref<4096x4096xf32, #tpu.memory_space<hbm>> -> memref<8x4096xf32, #tpu.memory_space<hbm>>
    %dma_start3A_117 = arith.constant 0 : i32
    %dma_start3A_118 = arith.constant 0 : i32
    %dma_start3A_119 = tpu.memref_slice %arg5[%dma_start3A_108, %dma_start3A_117, %dma_start3A_118] : memref<3x8x4096xf32, #tpu.memory_space<vmem>> -> memref<1x8x4096xf32, #tpu.memory_space<vmem>>
    %dma_start3A_120 = tpu.memref_squeeze %dma_start3A_119 : memref<1x8x4096xf32, #tpu.memory_space<vmem>> -> memref<8x4096xf32, #tpu.memory_space<vmem>>
    tpu.enqueue_dma source(%dma_start3A_120 : memref<8x4096xf32, #tpu.memory_space<vmem>>) target(%dma_start3A_116 : memref<8x4096xf32, #tpu.memory_space<hbm>>) target_semaphore(%arg7 : memref<!tpu.dma_semaphore, #tpu.memory_space<semaphore_mem>>)
    %dma_wait3A_121 = arith.constant 0 : i32
    %dma_wait3A_122 = arith.constant 0 : i32
    %dma_wait3A_123 = arith.constant 0 : i32
    %dma_wait3A_124 = tpu.memref_slice %arg5[%dma_wait3A_121, %dma_wait3A_122, %dma_wait3A_123] : memref<3x8x4096xf32, #tpu.memory_space<vmem>> -> memref<1x8x4096xf32, #tpu.memory_space<vmem>>
    %dma_wait3A_125 = tpu.memref_squeeze %dma_wait3A_124 : memref<1x8x4096xf32, #tpu.memory_space<vmem>> -> memref<8x4096xf32, #tpu.memory_space<vmem>>
    %dma_wait3A_126 = arith.constant 0 : i32
    %dma_wait3A_127 = tpu.memref_slice %arg3[%add3A_59, %dma_wait3A_126] : memref<4096x4096xf32, #tpu.memory_space<hbm>> -> memref<8x4096xf32, #tpu.memory_space<hbm>>
    %dma_wait3A_128 = arith.constant 0 : i32
    %dma_wait3A_129 = tpu.memref_slice %arg3[%add3A_59, %dma_wait3A_128] : memref<4096x4096xf32, #tpu.memory_space<hbm>> -> memref<8x4096xf32, #tpu.memory_space<hbm>>
    %dma_wait3A_130 = arith.constant 0 : i32
    %dma_wait3A_131 = arith.constant 0 : i32
    %dma_wait3A_132 = tpu.memref_slice %arg5[%dma_wait3A_121, %dma_wait3A_130, %dma_wait3A_131] : memref<3x8x4096xf32, #tpu.memory_space<vmem>> -> memref<1x8x4096xf32, #tpu.memory_space<vmem>>
    %dma_wait3A_133 = tpu.memref_squeeze %dma_wait3A_132 : memref<1x8x4096xf32, #tpu.memory_space<vmem>> -> memref<8x4096xf32, #tpu.memory_space<vmem>>
    tpu.wait_dma2 semaphore(%arg7 : memref<!tpu.dma_semaphore, #tpu.memory_space<semaphore_mem>>) src(%dma_wait3A_133 : memref<8x4096xf32, #tpu.memory_space<vmem>>) dst(%dma_wait3A_129 : memref<8x4096xf32, #tpu.memory_space<hbm>>)
    %sub3A_134 = arith.subi %sub3A_3, %mul3A_7 : i32
    %dma_start3A_135 = arith.constant 3 : i32
    %dma_start3A_136 = arith.constant 0 : i32
    %dma_start3A_137 = arith.constant 0 : i32
    %dma_start3A_138 = arith.constant 0 : i32
    %dma_start3A_139 = tpu.memref_slice %arg5[%dma_start3A_136, %dma_start3A_137, %dma_start3A_138] : memref<3x8x4096xf32, #tpu.memory_space<vmem>> -> memref<1x8x4096xf32, #tpu.memory_space<vmem>>
    %dma_start3A_140 = tpu.memref_squeeze %dma_start3A_139 : memref<1x8x4096xf32, #tpu.memory_space<vmem>> -> memref<8x4096xf32, #tpu.memory_space<vmem>>
    %dma_start3A_141 = arith.constant 0 : i32
    %dma_start3A_142 = tpu.memref_slice %arg4[%dma_start3A_135, %dma_start3A_141, %sub3A_134] : memref<4x8x6144xf32, #tpu.memory_space<vmem_shared>> -> memref<1x8x4096xf32, #tpu.memory_space<vmem_shared>>
    %dma_start3A_143 = tpu.memref_squeeze %dma_start3A_142 : memref<1x8x4096xf32, #tpu.memory_space<vmem_shared>> -> memref<8x4096xf32, #tpu.memory_space<vmem_shared>>
    %dma_start3A_144 = arith.constant 0 : i32
    %dma_start3A_145 = arith.constant 0 : i32
    %dma_start3A_146 = tpu.memref_slice %arg5[%dma_start3A_136, %dma_start3A_144, %dma_start3A_145] : memref<3x8x4096xf32, #tpu.memory_space<vmem>> -> memref<1x8x4096xf32, #tpu.memory_space<vmem>>
    %dma_start3A_147 = tpu.memref_squeeze %dma_start3A_146 : memref<1x8x4096xf32, #tpu.memory_space<vmem>> -> memref<8x4096xf32, #tpu.memory_space<vmem>>
    %dma_start3A_148 = arith.constant 0 : i32
    %dma_start3A_149 = tpu.memref_slice %arg4[%dma_start3A_135, %dma_start3A_148, %sub3A_134] : memref<4x8x6144xf32, #tpu.memory_space<vmem_shared>> -> memref<1x8x4096xf32, #tpu.memory_space<vmem_shared>>
    %dma_start3A_150 = tpu.memref_squeeze %dma_start3A_149 : memref<1x8x4096xf32, #tpu.memory_space<vmem_shared>> -> memref<8x4096xf32, #tpu.memory_space<vmem_shared>>
    tpu.enqueue_dma source(%dma_start3A_150 : memref<8x4096xf32, #tpu.memory_space<vmem_shared>>) target(%dma_start3A_147 : memref<8x4096xf32, #tpu.memory_space<vmem>>) target_semaphore(%arg6 : memref<!tpu.dma_semaphore, #tpu.memory_space<semaphore_mem>>)
    %dma_wait3A_151 = arith.constant 2 : i32
    %dma_wait3A_152 = arith.constant 2 : i32
    %dma_wait3A_153 = arith.constant 0 : i32
    %dma_wait3A_154 = arith.constant 0 : i32
    %dma_wait3A_155 = tpu.memref_slice %arg5[%dma_wait3A_152, %dma_wait3A_153, %dma_wait3A_154] : memref<3x8x4096xf32, #tpu.memory_space<vmem>> -> memref<1x8x4096xf32, #tpu.memory_space<vmem>>
    %dma_wait3A_156 = tpu.memref_squeeze %dma_wait3A_155 : memref<1x8x4096xf32, #tpu.memory_space<vmem>> -> memref<8x4096xf32, #tpu.memory_space<vmem>>
    %dma_wait3A_157 = arith.constant 0 : i32
    %dma_wait3A_158 = tpu.memref_slice %arg4[%dma_wait3A_151, %dma_wait3A_157, %sub3A_73] : memref<4x8x6144xf32, #tpu.memory_space<vmem_shared>> -> memref<1x8x4096xf32, #tpu.memory_space<vmem_shared>>
    %dma_wait3A_159 = tpu.memref_squeeze %dma_wait3A_158 : memref<1x8x4096xf32, #tpu.memory_space<vmem_shared>> -> memref<8x4096xf32, #tpu.memory_space<vmem_shared>>
    %dma_wait3A_160 = arith.constant 0 : i32
    %dma_wait3A_161 = arith.constant 0 : i32
    %dma_wait3A_162 = tpu.memref_slice %arg5[%dma_wait3A_152, %dma_wait3A_160, %dma_wait3A_161] : memref<3x8x4096xf32, #tpu.memory_space<vmem>> -> memref<1x8x4096xf32, #tpu.memory_space<vmem>>
    %dma_wait3A_163 = tpu.memref_squeeze %dma_wait3A_162 : memref<1x8x4096xf32, #tpu.memory_space<vmem>> -> memref<8x4096xf32, #tpu.memory_space<vmem>>
    %dma_wait3A_164 = arith.constant 0 : i32
    %dma_wait3A_165 = tpu.memref_slice %arg4[%dma_wait3A_151, %dma_wait3A_164, %sub3A_73] : memref<4x8x6144xf32, #tpu.memory_space<vmem_shared>> -> memref<1x8x4096xf32, #tpu.memory_space<vmem_shared>>
    %dma_wait3A_166 = tpu.memref_squeeze %dma_wait3A_165 : memref<1x8x4096xf32, #tpu.memory_space<vmem_shared>> -> memref<8x4096xf32, #tpu.memory_space<vmem_shared>>
    tpu.wait_dma2 semaphore(%arg6 : memref<!tpu.dma_semaphore, #tpu.memory_space<semaphore_mem>>) src(%dma_wait3A_166 : memref<8x4096xf32, #tpu.memory_space<vmem_shared>>) dst(%dma_wait3A_163 : memref<8x4096xf32, #tpu.memory_space<vmem>>)
    %add3A_167 = arith.constant 16 : i32
    %add3A_168 = arith.addi %mul3A_2, %add3A_167 : i32
    %dma_start3A_169 = arith.constant 2 : i32
    %dma_start3A_170 = arith.constant 0 : i32
    %dma_start3A_171 = arith.constant 0 : i32
    %dma_start3A_172 = tpu.memref_slice %arg5[%dma_start3A_169, %dma_start3A_170, %dma_start3A_171] : memref<3x8x4096xf32, #tpu.memory_space<vmem>> -> memref<1x8x4096xf32, #tpu.memory_space<vmem>>
    %dma_start3A_173 = tpu.memref_squeeze %dma_start3A_172 : memref<1x8x4096xf32, #tpu.memory_space<vmem>> -> memref<8x4096xf32, #tpu.memory_space<vmem>>
    %dma_start3A_174 = arith.constant 0 : i32
    %dma_start3A_175 = tpu.memref_slice %arg3[%add3A_168, %dma_start3A_174] : memref<4096x4096xf32, #tpu.memory_space<hbm>> -> memref<8x4096xf32, #tpu.memory_space<hbm>>
    %dma_start3A_176 = arith.constant 0 : i32
    %dma_start3A_177 = tpu.memref_slice %arg3[%add3A_168, %dma_start3A_176] : memref<4096x4096xf32, #tpu.memory_space<hbm>> -> memref<8x4096xf32, #tpu.memory_space<hbm>>
    %dma_start3A_178 = arith.constant 0 : i32
    %dma_start3A_179 = arith.constant 0 : i32
    %dma_start3A_180 = tpu.memref_slice %arg5[%dma_start3A_169, %dma_start3A_178, %dma_start3A_179] : memref<3x8x4096xf32, #tpu.memory_space<vmem>> -> memref<1x8x4096xf32, #tpu.memory_space<vmem>>
    %dma_start3A_181 = tpu.memref_squeeze %dma_start3A_180 : memref<1x8x4096xf32, #tpu.memory_space<vmem>> -> memref<8x4096xf32, #tpu.memory_space<vmem>>
    tpu.enqueue_dma source(%dma_start3A_181 : memref<8x4096xf32, #tpu.memory_space<vmem>>) target(%dma_start3A_177 : memref<8x4096xf32, #tpu.memory_space<hbm>>) target_semaphore(%arg7 : memref<!tpu.dma_semaphore, #tpu.memory_space<semaphore_mem>>)
    %dma_wait3A_182 = arith.constant 3 : i32
    %dma_wait3A_183 = arith.constant 0 : i32
    %dma_wait3A_184 = arith.constant 0 : i32
    %dma_wait3A_185 = arith.constant 0 : i32
    %dma_wait3A_186 = tpu.memref_slice %arg5[%dma_wait3A_183, %dma_wait3A_184, %dma_wait3A_185] : memref<3x8x4096xf32, #tpu.memory_space<vmem>> -> memref<1x8x4096xf32, #tpu.memory_space<vmem>>
    %dma_wait3A_187 = tpu.memref_squeeze %dma_wait3A_186 : memref<1x8x4096xf32, #tpu.memory_space<vmem>> -> memref<8x4096xf32, #tpu.memory_space<vmem>>
    %dma_wait3A_188 = arith.constant 0 : i32
    %dma_wait3A_189 = tpu.memref_slice %arg4[%dma_wait3A_182, %dma_wait3A_188, %sub3A_134] : memref<4x8x6144xf32, #tpu.memory_space<vmem_shared>> -> memref<1x8x4096xf32, #tpu.memory_space<vmem_shared>>
    %dma_wait3A_190 = tpu.memref_squeeze %dma_wait3A_189 : memref<1x8x4096xf32, #tpu.memory_space<vmem_shared>> -> memref<8x4096xf32, #tpu.memory_space<vmem_shared>>
    %dma_wait3A_191 = arith.constant 0 : i32
    %dma_wait3A_192 = arith.constant 0 : i32
    %dma_wait3A_193 = tpu.memref_slice %arg5[%dma_wait3A_183, %dma_wait3A_191, %dma_wait3A_192] : memref<3x8x4096xf32, #tpu.memory_space<vmem>> -> memref<1x8x4096xf32, #tpu.memory_space<vmem>>
    %dma_wait3A_194 = tpu.memref_squeeze %dma_wait3A_193 : memref<1x8x4096xf32, #tpu.memory_space<vmem>> -> memref<8x4096xf32, #tpu.memory_space<vmem>>
    %dma_wait3A_195 = arith.constant 0 : i32
    %dma_wait3A_196 = tpu.memref_slice %arg4[%dma_wait3A_182, %dma_wait3A_195, %sub3A_134] : memref<4x8x6144xf32, #tpu.memory_space<vmem_shared>> -> memref<1x8x4096xf32, #tpu.memory_space<vmem_shared>>
    %dma_wait3A_197 = tpu.memref_squeeze %dma_wait3A_196 : memref<1x8x4096xf32, #tpu.memory_space<vmem_shared>> -> memref<8x4096xf32, #tpu.memory_space<vmem_shared>>
    tpu.wait_dma2 semaphore(%arg6 : memref<!tpu.dma_semaphore, #tpu.memory_space<semaphore_mem>>) src(%dma_wait3A_197 : memref<8x4096xf32, #tpu.memory_space<vmem_shared>>) dst(%dma_wait3A_194 : memref<8x4096xf32, #tpu.memory_space<vmem>>)
    %add3A_198 = arith.constant 24 : i32
    %add3A_199 = arith.addi %mul3A_2, %add3A_198 : i32
    %dma_start3A_200 = arith.constant 0 : i32
    %dma_start3A_201 = arith.constant 0 : i32
    %dma_start3A_202 = arith.constant 0 : i32
    %dma_start3A_203 = tpu.memref_slice %arg5[%dma_start3A_200, %dma_start3A_201, %dma_start3A_202] : memref<3x8x4096xf32, #tpu.memory_space<vmem>> -> memref<1x8x4096xf32, #tpu.memory_space<vmem>>
    %dma_start3A_204 = tpu.memref_squeeze %dma_start3A_203 : memref<1x8x4096xf32, #tpu.memory_space<vmem>> -> memref<8x4096xf32, #tpu.memory_space<vmem>>
    %dma_start3A_205 = arith.constant 0 : i32
    %dma_start3A_206 = tpu.memref_slice %arg3[%add3A_199, %dma_start3A_205] : memref<4096x4096xf32, #tpu.memory_space<hbm>> -> memref<8x4096xf32, #tpu.memory_space<hbm>>
    %dma_start3A_207 = arith.constant 0 : i32
    %dma_start3A_208 = tpu.memref_slice %arg3[%add3A_199, %dma_start3A_207] : memref<4096x4096xf32, #tpu.memory_space<hbm>> -> memref<8x4096xf32, #tpu.memory_space<hbm>>
    %dma_start3A_209 = arith.constant 0 : i32
    %dma_start3A_210 = arith.constant 0 : i32
    %dma_start3A_211 = tpu.memref_slice %arg5[%dma_start3A_200, %dma_start3A_209, %dma_start3A_210] : memref<3x8x4096xf32, #tpu.memory_space<vmem>> -> memref<1x8x4096xf32, #tpu.memory_space<vmem>>
    %dma_start3A_212 = tpu.memref_squeeze %dma_start3A_211 : memref<1x8x4096xf32, #tpu.memory_space<vmem>> -> memref<8x4096xf32, #tpu.memory_space<vmem>>
    tpu.enqueue_dma source(%dma_start3A_212 : memref<8x4096xf32, #tpu.memory_space<vmem>>) target(%dma_start3A_208 : memref<8x4096xf32, #tpu.memory_space<hbm>>) target_semaphore(%arg7 : memref<!tpu.dma_semaphore, #tpu.memory_space<semaphore_mem>>)
    %barrier3A_213 = arith.constant 0 : index
    tpu.barrier barrier_id(%barrier3A_213)
    %lt3A_214 = arith.constant 4 : i32
    %lt3A_215 = arith.cmpi slt, %arg1, %lt3A_214 : i32
    %convert_element_type3A_216 = arith.extui %lt3A_215 : i1 to i32
    %cond3A_217 = arith.constant 0 : i32
    %cond3A_218 = arith.cmpi ne, %convert_element_type3A_216, %cond3A_217 : i32
    scf.if %cond3A_218 {
      %add3A_1005 = arith.constant 4 : i32
      %add3A_1006 = arith.addi %add3A_1005, %arg1 : i32
      %dma_start3A_1007 = arith.constant 0 : i32
      %dma_start3A_1008 = arith.constant 0 : i32
      %dma_start3A_1009 = tpu.memref_slice %arg4[%arg1, %dma_start3A_1007, %dma_start3A_1008] : memref<4x8x6144xf32, #tpu.memory_space<vmem_shared>> -> memref<1x8x6144xf32, #tpu.memory_space<vmem_shared>>
      %dma_start3A_1010 = tpu.memref_squeeze %dma_start3A_1009 : memref<1x8x6144xf32, #tpu.memory_space<vmem_shared>> -> memref<8x6144xf32, #tpu.memory_space<vmem_shared>>
      %dma_start3A_1011 = arith.constant 0 : i32
      %dma_start3A_1012 = tpu.memref_slice %arg2[%add3A_1006, %dma_start3A_1011, %mul3A_7] : memref<16x8x8192xf32, #tpu.memory_space<hbm>> -> memref<1x8x6144xf32, #tpu.memory_space<hbm>>
      %dma_start3A_1013 = tpu.memref_squeeze %dma_start3A_1012 : memref<1x8x6144xf32, #tpu.memory_space<hbm>> -> memref<8x6144xf32, #tpu.memory_space<hbm>>
      tpu.enqueue_dma source(%dma_start3A_1013 : memref<8x6144xf32, #tpu.memory_space<hbm>>) target(%dma_start3A_1010 : memref<8x6144xf32, #tpu.memory_space<vmem_shared>>) target_semaphore(%arg8 : memref<!tpu.dma_semaphore, #tpu.memory_space<semaphore_mem>>)
      %dma_wait3A_1014 = arith.constant 0 : i32
      %dma_wait3A_1015 = arith.constant 0 : i32
      %dma_wait3A_1016 = tpu.memref_slice %arg4[%arg1, %dma_wait3A_1014, %dma_wait3A_1015] : memref<4x8x6144xf32, #tpu.memory_space<vmem_shared>> -> memref<1x8x6144xf32, #tpu.memory_space<vmem_shared>>
      %dma_wait3A_1017 = tpu.memref_squeeze %dma_wait3A_1016 : memref<1x8x6144xf32, #tpu.memory_space<vmem_shared>> -> memref<8x6144xf32, #tpu.memory_space<vmem_shared>>
      %dma_wait3A_1018 = arith.constant 0 : i32
      %dma_wait3A_1019 = tpu.memref_slice %arg2[%add3A_1006, %dma_wait3A_1018, %mul3A_7] : memref<16x8x8192xf32, #tpu.memory_space<hbm>> -> memref<1x8x6144xf32, #tpu.memory_space<hbm>>
      %dma_wait3A_1020 = tpu.memref_squeeze %dma_wait3A_1019 : memref<1x8x6144xf32, #tpu.memory_space<hbm>> -> memref<8x6144xf32, #tpu.memory_space<hbm>>
      tpu.wait_dma2 semaphore(%arg8 : memref<!tpu.dma_semaphore, #tpu.memory_space<semaphore_mem>>) src(%dma_wait3A_1020 : memref<8x6144xf32, #tpu.memory_space<hbm>>) dst(%dma_wait3A_1017 : memref<8x6144xf32, #tpu.memory_space<vmem_shared>>)
    } else {
    }
    %barrier3A_219 = arith.constant 0 : index
    tpu.barrier barrier_id(%barrier3A_219)
    %dma_wait3A_220 = arith.constant 1 : i32
    %dma_wait3A_221 = arith.constant 0 : i32
    %dma_wait3A_222 = arith.constant 0 : i32
    %dma_wait3A_223 = tpu.memref_slice %arg5[%dma_wait3A_220, %dma_wait3A_221, %dma_wait3A_222] : memref<3x8x4096xf32, #tpu.memory_space<vmem>> -> memref<1x8x4096xf32, #tpu.memory_space<vmem>>
    %dma_wait3A_224 = tpu.memref_squeeze %dma_wait3A_223 : memref<1x8x4096xf32, #tpu.memory_space<vmem>> -> memref<8x4096xf32, #tpu.memory_space<vmem>>
    %dma_wait3A_225 = arith.constant 0 : i32
    %dma_wait3A_226 = tpu.memref_slice %arg3[%add3A_107, %dma_wait3A_225] : memref<4096x4096xf32, #tpu.memory_space<hbm>> -> memref<8x4096xf32, #tpu.memory_space<hbm>>
    %dma_wait3A_227 = arith.constant 0 : i32
    %dma_wait3A_228 = tpu.memref_slice %arg3[%add3A_107, %dma_wait3A_227] : memref<4096x4096xf32, #tpu.memory_space<hbm>> -> memref<8x4096xf32, #tpu.memory_space<hbm>>
    %dma_wait3A_229 = arith.constant 0 : i32
    %dma_wait3A_230 = arith.constant 0 : i32
    %dma_wait3A_231 = tpu.memref_slice %arg5[%dma_wait3A_220, %dma_wait3A_229, %dma_wait3A_230] : memref<3x8x4096xf32, #tpu.memory_space<vmem>> -> memref<1x8x4096xf32, #tpu.memory_space<vmem>>
    %dma_wait3A_232 = tpu.memref_squeeze %dma_wait3A_231 : memref<1x8x4096xf32, #tpu.memory_space<vmem>> -> memref<8x4096xf32, #tpu.memory_space<vmem>>
    tpu.wait_dma2 semaphore(%arg7 : memref<!tpu.dma_semaphore, #tpu.memory_space<semaphore_mem>>) src(%dma_wait3A_232 : memref<8x4096xf32, #tpu.memory_space<vmem>>) dst(%dma_wait3A_228 : memref<8x4096xf32, #tpu.memory_space<hbm>>)
    %sub3A_233 = arith.subi %sub3A_3, %mul3A_7 : i32
    %dma_start3A_234 = arith.constant 0 : i32
    %dma_start3A_235 = arith.constant 1 : i32
    %dma_start3A_236 = arith.constant 0 : i32
    %dma_start3A_237 = arith.constant 0 : i32
    %dma_start3A_238 = tpu.memref_slice %arg5[%dma_start3A_235, %dma_start3A_236, %dma_start3A_237] : memref<3x8x4096xf32, #tpu.memory_space<vmem>> -> memref<1x8x4096xf32, #tpu.memory_space<vmem>>
    %dma_start3A_239 = tpu.memref_squeeze %dma_start3A_238 : memref<1x8x4096xf32, #tpu.memory_space<vmem>> -> memref<8x4096xf32, #tpu.memory_space<vmem>>
    %dma_start3A_240 = arith.constant 0 : i32
    %dma_start3A_241 = tpu.memref_slice %arg4[%dma_start3A_234, %dma_start3A_240, %sub3A_233] : memref<4x8x6144xf32, #tpu.memory_space<vmem_shared>> -> memref<1x8x4096xf32, #tpu.memory_space<vmem_shared>>
    %dma_start3A_242 = tpu.memref_squeeze %dma_start3A_241 : memref<1x8x4096xf32, #tpu.memory_space<vmem_shared>> -> memref<8x4096xf32, #tpu.memory_space<vmem_shared>>
    %dma_start3A_243 = arith.constant 0 : i32
    %dma_start3A_244 = arith.constant 0 : i32
    %dma_start3A_245 = tpu.memref_slice %arg5[%dma_start3A_235, %dma_start3A_243, %dma_start3A_244] : memref<3x8x4096xf32, #tpu.memory_space<vmem>> -> memref<1x8x4096xf32, #tpu.memory_space<vmem>>
    %dma_start3A_246 = tpu.memref_squeeze %dma_start3A_245 : memref<1x8x4096xf32, #tpu.memory_space<vmem>> -> memref<8x4096xf32, #tpu.memory_space<vmem>>
    %dma_start3A_247 = arith.constant 0 : i32
    %dma_start3A_248 = tpu.memref_slice %arg4[%dma_start3A_234, %dma_start3A_247, %sub3A_233] : memref<4x8x6144xf32, #tpu.memory_space<vmem_shared>> -> memref<1x8x4096xf32, #tpu.memory_space<vmem_shared>>
    %dma_start3A_249 = tpu.memref_squeeze %dma_start3A_248 : memref<1x8x4096xf32, #tpu.memory_space<vmem_shared>> -> memref<8x4096xf32, #tpu.memory_space<vmem_shared>>
    tpu.enqueue_dma source(%dma_start3A_249 : memref<8x4096xf32, #tpu.memory_space<vmem_shared>>) target(%dma_start3A_246 : memref<8x4096xf32, #tpu.memory_space<vmem>>) target_semaphore(%arg6 : memref<!tpu.dma_semaphore, #tpu.memory_space<semaphore_mem>>)
    %dma_wait3A_250 = arith.constant 2 : i32
    %dma_wait3A_251 = arith.constant 0 : i32
    %dma_wait3A_252 = arith.constant 0 : i32
    %dma_wait3A_253 = tpu.memref_slice %arg5[%dma_wait3A_250, %dma_wait3A_251, %dma_wait3A_252] : memref<3x8x4096xf32, #tpu.memory_space<vmem>> -> memref<1x8x4096xf32, #tpu.memory_space<vmem>>
    %dma_wait3A_254 = tpu.memref_squeeze %dma_wait3A_253 : memref<1x8x4096xf32, #tpu.memory_space<vmem>> -> memref<8x4096xf32, #tpu.memory_space<vmem>>
    %dma_wait3A_255 = arith.constant 0 : i32
    %dma_wait3A_256 = tpu.memref_slice %arg3[%add3A_168, %dma_wait3A_255] : memref<4096x4096xf32, #tpu.memory_space<hbm>> -> memref<8x4096xf32, #tpu.memory_space<hbm>>
    %dma_wait3A_257 = arith.constant 0 : i32
    %dma_wait3A_258 = tpu.memref_slice %arg3[%add3A_168, %dma_wait3A_257] : memref<4096x4096xf32, #tpu.memory_space<hbm>> -> memref<8x4096xf32, #tpu.memory_space<hbm>>
    %dma_wait3A_259 = arith.constant 0 : i32
    %dma_wait3A_260 = arith.constant 0 : i32
    %dma_wait3A_261 = tpu.memref_slice %arg5[%dma_wait3A_250, %dma_wait3A_259, %dma_wait3A_260] : memref<3x8x4096xf32, #tpu.memory_space<vmem>> -> memref<1x8x4096xf32, #tpu.memory_space<vmem>>
    %dma_wait3A_262 = tpu.memref_squeeze %dma_wait3A_261 : memref<1x8x4096xf32, #tpu.memory_space<vmem>> -> memref<8x4096xf32, #tpu.memory_space<vmem>>
    tpu.wait_dma2 semaphore(%arg7 : memref<!tpu.dma_semaphore, #tpu.memory_space<semaphore_mem>>) src(%dma_wait3A_262 : memref<8x4096xf32, #tpu.memory_space<vmem>>) dst(%dma_wait3A_258 : memref<8x4096xf32, #tpu.memory_space<hbm>>)
    %sub3A_263 = arith.subi %sub3A_3, %mul3A_7 : i32
    %dma_start3A_264 = arith.constant 1 : i32
    %dma_start3A_265 = arith.constant 2 : i32
    %dma_start3A_266 = arith.constant 0 : i32
    %dma_start3A_267 = arith.constant 0 : i32
    %dma_start3A_268 = tpu.memref_slice %arg5[%dma_start3A_265, %dma_start3A_266, %dma_start3A_267] : memref<3x8x4096xf32, #tpu.memory_space<vmem>> -> memref<1x8x4096xf32, #tpu.memory_space<vmem>>
    %dma_start3A_269 = tpu.memref_squeeze %dma_start3A_268 : memref<1x8x4096xf32, #tpu.memory_space<vmem>> -> memref<8x4096xf32, #tpu.memory_space<vmem>>
    %dma_start3A_270 = arith.constant 0 : i32
    %dma_start3A_271 = tpu.memref_slice %arg4[%dma_start3A_264, %dma_start3A_270, %sub3A_263] : memref<4x8x6144xf32, #tpu.memory_space<vmem_shared>> -> memref<1x8x4096xf32, #tpu.memory_space<vmem_shared>>
    %dma_start3A_272 = tpu.memref_squeeze %dma_start3A_271 : memref<1x8x4096xf32, #tpu.memory_space<vmem_shared>> -> memref<8x4096xf32, #tpu.memory_space<vmem_shared>>
    %dma_start3A_273 = arith.constant 0 : i32
    %dma_start3A_274 = arith.constant 0 : i32
    %dma_start3A_275 = tpu.memref_slice %arg5[%dma_start3A_265, %dma_start3A_273, %dma_start3A_274] : memref<3x8x4096xf32, #tpu.memory_space<vmem>> -> memref<1x8x4096xf32, #tpu.memory_space<vmem>>
    %dma_start3A_276 = tpu.memref_squeeze %dma_start3A_275 : memref<1x8x4096xf32, #tpu.memory_space<vmem>> -> memref<8x4096xf32, #tpu.memory_space<vmem>>
    %dma_start3A_277 = arith.constant 0 : i32
    %dma_start3A_278 = tpu.memref_slice %arg4[%dma_start3A_264, %dma_start3A_277, %sub3A_263] : memref<4x8x6144xf32, #tpu.memory_space<vmem_shared>> -> memref<1x8x4096xf32, #tpu.memory_space<vmem_shared>>
    %dma_start3A_279 = tpu.memref_squeeze %dma_start3A_278 : memref<1x8x4096xf32, #tpu.memory_space<vmem_shared>> -> memref<8x4096xf32, #tpu.memory_space<vmem_shared>>
    tpu.enqueue_dma source(%dma_start3A_279 : memref<8x4096xf32, #tpu.memory_space<vmem_shared>>) target(%dma_start3A_276 : memref<8x4096xf32, #tpu.memory_space<vmem>>) target_semaphore(%arg6 : memref<!tpu.dma_semaphore, #tpu.memory_space<semaphore_mem>>)
    %dma_wait3A_280 = arith.constant 0 : i32
    %dma_wait3A_281 = arith.constant 1 : i32
    %dma_wait3A_282 = arith.constant 0 : i32
    %dma_wait3A_283 = arith.constant 0 : i32
    %dma_wait3A_284 = tpu.memref_slice %arg5[%dma_wait3A_281, %dma_wait3A_282, %dma_wait3A_283] : memref<3x8x4096xf32, #tpu.memory_space<vmem>> -> memref<1x8x4096xf32, #tpu.memory_space<vmem>>
    %dma_wait3A_285 = tpu.memref_squeeze %dma_wait3A_284 : memref<1x8x4096xf32, #tpu.memory_space<vmem>> -> memref<8x4096xf32, #tpu.memory_space<vmem>>
    %dma_wait3A_286 = arith.constant 0 : i32
    %dma_wait3A_287 = tpu.memref_slice %arg4[%dma_wait3A_280, %dma_wait3A_286, %sub3A_233] : memref<4x8x6144xf32, #tpu.memory_space<vmem_shared>> -> memref<1x8x4096xf32, #tpu.memory_space<vmem_shared>>
    %dma_wait3A_288 = tpu.memref_squeeze %dma_wait3A_287 : memref<1x8x4096xf32, #tpu.memory_space<vmem_shared>> -> memref<8x4096xf32, #tpu.memory_space<vmem_shared>>
    %dma_wait3A_289 = arith.constant 0 : i32
    %dma_wait3A_290 = arith.constant 0 : i32
    %dma_wait3A_291 = tpu.memref_slice %arg5[%dma_wait3A_281, %dma_wait3A_289, %dma_wait3A_290] : memref<3x8x4096xf32, #tpu.memory_space<vmem>> -> memref<1x8x4096xf32, #tpu.memory_space<vmem>>
    %dma_wait3A_292 = tpu.memref_squeeze %dma_wait3A_291 : memref<1x8x4096xf32, #tpu.memory_space<vmem>> -> memref<8x4096xf32, #tpu.memory_space<vmem>>
    %dma_wait3A_293 = arith.constant 0 : i32
    %dma_wait3A_294 = tpu.memref_slice %arg4[%dma_wait3A_280, %dma_wait3A_293, %sub3A_233] : memref<4x8x6144xf32, #tpu.memory_space<vmem_shared>> -> memref<1x8x4096xf32, #tpu.memory_space<vmem_shared>>
    %dma_wait3A_295 = tpu.memref_squeeze %dma_wait3A_294 : memref<1x8x4096xf32, #tpu.memory_space<vmem_shared>> -> memref<8x4096xf32, #tpu.memory_space<vmem_shared>>
    tpu.wait_dma2 semaphore(%arg6 : memref<!tpu.dma_semaphore, #tpu.memory_space<semaphore_mem>>) src(%dma_wait3A_295 : memref<8x4096xf32, #tpu.memory_space<vmem_shared>>) dst(%dma_wait3A_292 : memref<8x4096xf32, #tpu.memory_space<vmem>>)
    %add3A_296 = arith.constant 32 : i32
    %add3A_297 = arith.addi %mul3A_2, %add3A_296 : i32
    %dma_start3A_298 = arith.constant 1 : i32
    %dma_start3A_299 = arith.constant 0 : i32
    %dma_start3A_300 = arith.constant 0 : i32
    %dma_start3A_301 = tpu.memref_slice %arg5[%dma_start3A_298, %dma_start3A_299, %dma_start3A_300] : memref<3x8x4096xf32, #tpu.memory_space<vmem>> -> memref<1x8x4096xf32, #tpu.memory_space<vmem>>
    %dma_start3A_302 = tpu.memref_squeeze %dma_start3A_301 : memref<1x8x4096xf32, #tpu.memory_space<vmem>> -> memref<8x4096xf32, #tpu.memory_space<vmem>>
    %dma_start3A_303 = arith.constant 0 : i32
    %dma_start3A_304 = tpu.memref_slice %arg3[%add3A_297, %dma_start3A_303] : memref<4096x4096xf32, #tpu.memory_space<hbm>> -> memref<8x4096xf32, #tpu.memory_space<hbm>>
    %dma_start3A_305 = arith.constant 0 : i32
    %dma_start3A_306 = tpu.memref_slice %arg3[%add3A_297, %dma_start3A_305] : memref<4096x4096xf32, #tpu.memory_space<hbm>> -> memref<8x4096xf32, #tpu.memory_space<hbm>>
    %dma_start3A_307 = arith.constant 0 : i32
    %dma_start3A_308 = arith.constant 0 : i32
    %dma_start3A_309 = tpu.memref_slice %arg5[%dma_start3A_298, %dma_start3A_307, %dma_start3A_308] : memref<3x8x4096xf32, #tpu.memory_space<vmem>> -> memref<1x8x4096xf32, #tpu.memory_space<vmem>>
    %dma_start3A_310 = tpu.memref_squeeze %dma_start3A_309 : memref<1x8x4096xf32, #tpu.memory_space<vmem>> -> memref<8x4096xf32, #tpu.memory_space<vmem>>
    tpu.enqueue_dma source(%dma_start3A_310 : memref<8x4096xf32, #tpu.memory_space<vmem>>) target(%dma_start3A_306 : memref<8x4096xf32, #tpu.memory_space<hbm>>) target_semaphore(%arg7 : memref<!tpu.dma_semaphore, #tpu.memory_space<semaphore_mem>>)
    %dma_wait3A_311 = arith.constant 0 : i32
    %dma_wait3A_312 = arith.constant 0 : i32
    %dma_wait3A_313 = arith.constant 0 : i32
    %dma_wait3A_314 = tpu.memref_slice %arg5[%dma_wait3A_311, %dma_wait3A_312, %dma_wait3A_313] : memref<3x8x4096xf32, #tpu.memory_space<vmem>> -> memref<1x8x4096xf32, #tpu.memory_space<vmem>>
    %dma_wait3A_315 = tpu.memref_squeeze %dma_wait3A_314 : memref<1x8x4096xf32, #tpu.memory_space<vmem>> -> memref<8x4096xf32, #tpu.memory_space<vmem>>
    %dma_wait3A_316 = arith.constant 0 : i32
    %dma_wait3A_317 = tpu.memref_slice %arg3[%add3A_199, %dma_wait3A_316] : memref<4096x4096xf32, #tpu.memory_space<hbm>> -> memref<8x4096xf32, #tpu.memory_space<hbm>>
    %dma_wait3A_318 = arith.constant 0 : i32
    %dma_wait3A_319 = tpu.memref_slice %arg3[%add3A_199, %dma_wait3A_318] : memref<4096x4096xf32, #tpu.memory_space<hbm>> -> memref<8x4096xf32, #tpu.memory_space<hbm>>
    %dma_wait3A_320 = arith.constant 0 : i32
    %dma_wait3A_321 = arith.constant 0 : i32
    %dma_wait3A_322 = tpu.memref_slice %arg5[%dma_wait3A_311, %dma_wait3A_320, %dma_wait3A_321] : memref<3x8x4096xf32, #tpu.memory_space<vmem>> -> memref<1x8x4096xf32, #tpu.memory_space<vmem>>
    %dma_wait3A_323 = tpu.memref_squeeze %dma_wait3A_322 : memref<1x8x4096xf32, #tpu.memory_space<vmem>> -> memref<8x4096xf32, #tpu.memory_space<vmem>>
    tpu.wait_dma2 semaphore(%arg7 : memref<!tpu.dma_semaphore, #tpu.memory_space<semaphore_mem>>) src(%dma_wait3A_323 : memref<8x4096xf32, #tpu.memory_space<vmem>>) dst(%dma_wait3A_319 : memref<8x4096xf32, #tpu.memory_space<hbm>>)
    %sub3A_324 = arith.subi %sub3A_3, %mul3A_7 : i32
    %dma_start3A_325 = arith.constant 2 : i32
    %dma_start3A_326 = arith.constant 0 : i32
    %dma_start3A_327 = arith.constant 0 : i32
    %dma_start3A_328 = arith.constant 0 : i32
    %dma_start3A_329 = tpu.memref_slice %arg5[%dma_start3A_326, %dma_start3A_327, %dma_start3A_328] : memref<3x8x4096xf32, #tpu.memory_space<vmem>> -> memref<1x8x4096xf32, #tpu.memory_space<vmem>>
    %dma_start3A_330 = tpu.memref_squeeze %dma_start3A_329 : memref<1x8x4096xf32, #tpu.memory_space<vmem>> -> memref<8x4096xf32, #tpu.memory_space<vmem>>
    %dma_start3A_331 = arith.constant 0 : i32
    %dma_start3A_332 = tpu.memref_slice %arg4[%dma_start3A_325, %dma_start3A_331, %sub3A_324] : memref<4x8x6144xf32, #tpu.memory_space<vmem_shared>> -> memref<1x8x4096xf32, #tpu.memory_space<vmem_shared>>
    %dma_start3A_333 = tpu.memref_squeeze %dma_start3A_332 : memref<1x8x4096xf32, #tpu.memory_space<vmem_shared>> -> memref<8x4096xf32, #tpu.memory_space<vmem_shared>>
    %dma_start3A_334 = arith.constant 0 : i32
    %dma_start3A_335 = arith.constant 0 : i32
    %dma_start3A_336 = tpu.memref_slice %arg5[%dma_start3A_326, %dma_start3A_334, %dma_start3A_335] : memref<3x8x4096xf32, #tpu.memory_space<vmem>> -> memref<1x8x4096xf32, #tpu.memory_space<vmem>>
    %dma_start3A_337 = tpu.memref_squeeze %dma_start3A_336 : memref<1x8x4096xf32, #tpu.memory_space<vmem>> -> memref<8x4096xf32, #tpu.memory_space<vmem>>
    %dma_start3A_338 = arith.constant 0 : i32
    %dma_start3A_339 = tpu.memref_slice %arg4[%dma_start3A_325, %dma_start3A_338, %sub3A_324] : memref<4x8x6144xf32, #tpu.memory_space<vmem_shared>> -> memref<1x8x4096xf32, #tpu.memory_space<vmem_shared>>
    %dma_start3A_340 = tpu.memref_squeeze %dma_start3A_339 : memref<1x8x4096xf32, #tpu.memory_space<vmem_shared>> -> memref<8x4096xf32, #tpu.memory_space<vmem_shared>>
    tpu.enqueue_dma source(%dma_start3A_340 : memref<8x4096xf32, #tpu.memory_space<vmem_shared>>) target(%dma_start3A_337 : memref<8x4096xf32, #tpu.memory_space<vmem>>) target_semaphore(%arg6 : memref<!tpu.dma_semaphore, #tpu.memory_space<semaphore_mem>>)
    %dma_wait3A_341 = arith.constant 1 : i32
    %dma_wait3A_342 = arith.constant 2 : i32
    %dma_wait3A_343 = arith.constant 0 : i32
    %dma_wait3A_344 = arith.constant 0 : i32
    %dma_wait3A_345 = tpu.memref_slice %arg5[%dma_wait3A_342, %dma_wait3A_343, %dma_wait3A_344] : memref<3x8x4096xf32, #tpu.memory_space<vmem>> -> memref<1x8x4096xf32, #tpu.memory_space<vmem>>
    %dma_wait3A_346 = tpu.memref_squeeze %dma_wait3A_345 : memref<1x8x4096xf32, #tpu.memory_space<vmem>> -> memref<8x4096xf32, #tpu.memory_space<vmem>>
    %dma_wait3A_347 = arith.constant 0 : i32
    %dma_wait3A_348 = tpu.memref_slice %arg4[%dma_wait3A_341, %dma_wait3A_347, %sub3A_263] : memref<4x8x6144xf32, #tpu.memory_space<vmem_shared>> -> memref<1x8x4096xf32, #tpu.memory_space<vmem_shared>>
    %dma_wait3A_349 = tpu.memref_squeeze %dma_wait3A_348 : memref<1x8x4096xf32, #tpu.memory_space<vmem_shared>> -> memref<8x4096xf32, #tpu.memory_space<vmem_shared>>
    %dma_wait3A_350 = arith.constant 0 : i32
    %dma_wait3A_351 = arith.constant 0 : i32
    %dma_wait3A_352 = tpu.memref_slice %arg5[%dma_wait3A_342, %dma_wait3A_350, %dma_wait3A_351] : memref<3x8x4096xf32, #tpu.memory_space<vmem>> -> memref<1x8x4096xf32, #tpu.memory_space<vmem>>
    %dma_wait3A_353 = tpu.memref_squeeze %dma_wait3A_352 : memref<1x8x4096xf32, #tpu.memory_space<vmem>> -> memref<8x4096xf32, #tpu.memory_space<vmem>>
    %dma_wait3A_354 = arith.constant 0 : i32
    %dma_wait3A_355 = tpu.memref_slice %arg4[%dma_wait3A_341, %dma_wait3A_354, %sub3A_263] : memref<4x8x6144xf32, #tpu.memory_space<vmem_shared>> -> memref<1x8x4096xf32, #tpu.memory_space<vmem_shared>>
    %dma_wait3A_356 = tpu.memref_squeeze %dma_wait3A_355 : memref<1x8x4096xf32, #tpu.memory_space<vmem_shared>> -> memref<8x4096xf32, #tpu.memory_space<vmem_shared>>
    tpu.wait_dma2 semaphore(%arg6 : memref<!tpu.dma_semaphore, #tpu.memory_space<semaphore_mem>>) src(%dma_wait3A_356 : memref<8x4096xf32, #tpu.memory_space<vmem_shared>>) dst(%dma_wait3A_353 : memref<8x4096xf32, #tpu.memory_space<vmem>>)
    %add3A_357 = arith.constant 40 : i32
    %add3A_358 = arith.addi %mul3A_2, %add3A_357 : i32
    %dma_start3A_359 = arith.constant 2 : i32
    %dma_start3A_360 = arith.constant 0 : i32
    %dma_start3A_361 = arith.constant 0 : i32
    %dma_start3A_362 = tpu.memref_slice %arg5[%dma_start3A_359, %dma_start3A_360, %dma_start3A_361] : memref<3x8x4096xf32, #tpu.memory_space<vmem>> -> memref<1x8x4096xf32, #tpu.memory_space<vmem>>
    %dma_start3A_363 = tpu.memref_squeeze %dma_start3A_362 : memref<1x8x4096xf32, #tpu.memory_space<vmem>> -> memref<8x4096xf32, #tpu.memory_space<vmem>>
    %dma_start3A_364 = arith.constant 0 : i32
    %dma_start3A_365 = tpu.memref_slice %arg3[%add3A_358, %dma_start3A_364] : memref<4096x4096xf32, #tpu.memory_space<hbm>> -> memref<8x4096xf32, #tpu.memory_space<hbm>>
    %dma_start3A_366 = arith.constant 0 : i32
    %dma_start3A_367 = tpu.memref_slice %arg3[%add3A_358, %dma_start3A_366] : memref<4096x4096xf32, #tpu.memory_space<hbm>> -> memref<8x4096xf32, #tpu.memory_space<hbm>>
    %dma_start3A_368 = arith.constant 0 : i32
    %dma_start3A_369 = arith.constant 0 : i32
    %dma_start3A_370 = tpu.memref_slice %arg5[%dma_start3A_359, %dma_start3A_368, %dma_start3A_369] : memref<3x8x4096xf32, #tpu.memory_space<vmem>> -> memref<1x8x4096xf32, #tpu.memory_space<vmem>>
    %dma_start3A_371 = tpu.memref_squeeze %dma_start3A_370 : memref<1x8x4096xf32, #tpu.memory_space<vmem>> -> memref<8x4096xf32, #tpu.memory_space<vmem>>
    tpu.enqueue_dma source(%dma_start3A_371 : memref<8x4096xf32, #tpu.memory_space<vmem>>) target(%dma_start3A_367 : memref<8x4096xf32, #tpu.memory_space<hbm>>) target_semaphore(%arg7 : memref<!tpu.dma_semaphore, #tpu.memory_space<semaphore_mem>>)
    %dma_wait3A_372 = arith.constant 1 : i32
    %dma_wait3A_373 = arith.constant 0 : i32
    %dma_wait3A_374 = arith.constant 0 : i32
    %dma_wait3A_375 = tpu.memref_slice %arg5[%dma_wait3A_372, %dma_wait3A_373, %dma_wait3A_374] : memref<3x8x4096xf32, #tpu.memory_space<vmem>> -> memref<1x8x4096xf32, #tpu.memory_space<vmem>>
    %dma_wait3A_376 = tpu.memref_squeeze %dma_wait3A_375 : memref<1x8x4096xf32, #tpu.memory_space<vmem>> -> memref<8x4096xf32, #tpu.memory_space<vmem>>
    %dma_wait3A_377 = arith.constant 0 : i32
    %dma_wait3A_378 = tpu.memref_slice %arg3[%add3A_297, %dma_wait3A_377] : memref<4096x4096xf32, #tpu.memory_space<hbm>> -> memref<8x4096xf32, #tpu.memory_space<hbm>>
    %dma_wait3A_379 = arith.constant 0 : i32
    %dma_wait3A_380 = tpu.memref_slice %arg3[%add3A_297, %dma_wait3A_379] : memref<4096x4096xf32, #tpu.memory_space<hbm>> -> memref<8x4096xf32, #tpu.memory_space<hbm>>
    %dma_wait3A_381 = arith.constant 0 : i32
    %dma_wait3A_382 = arith.constant 0 : i32
    %dma_wait3A_383 = tpu.memref_slice %arg5[%dma_wait3A_372, %dma_wait3A_381, %dma_wait3A_382] : memref<3x8x4096xf32, #tpu.memory_space<vmem>> -> memref<1x8x4096xf32, #tpu.memory_space<vmem>>
    %dma_wait3A_384 = tpu.memref_squeeze %dma_wait3A_383 : memref<1x8x4096xf32, #tpu.memory_space<vmem>> -> memref<8x4096xf32, #tpu.memory_space<vmem>>
    tpu.wait_dma2 semaphore(%arg7 : memref<!tpu.dma_semaphore, #tpu.memory_space<semaphore_mem>>) src(%dma_wait3A_384 : memref<8x4096xf32, #tpu.memory_space<vmem>>) dst(%dma_wait3A_380 : memref<8x4096xf32, #tpu.memory_space<hbm>>)
    %sub3A_385 = arith.subi %sub3A_3, %mul3A_7 : i32
    %dma_start3A_386 = arith.constant 3 : i32
    %dma_start3A_387 = arith.constant 1 : i32
    %dma_start3A_388 = arith.constant 0 : i32
    %dma_start3A_389 = arith.constant 0 : i32
    %dma_start3A_390 = tpu.memref_slice %arg5[%dma_start3A_387, %dma_start3A_388, %dma_start3A_389] : memref<3x8x4096xf32, #tpu.memory_space<vmem>> -> memref<1x8x4096xf32, #tpu.memory_space<vmem>>
    %dma_start3A_391 = tpu.memref_squeeze %dma_start3A_390 : memref<1x8x4096xf32, #tpu.memory_space<vmem>> -> memref<8x4096xf32, #tpu.memory_space<vmem>>
    %dma_start3A_392 = arith.constant 0 : i32
    %dma_start3A_393 = tpu.memref_slice %arg4[%dma_start3A_386, %dma_start3A_392, %sub3A_385] : memref<4x8x6144xf32, #tpu.memory_space<vmem_shared>> -> memref<1x8x4096xf32, #tpu.memory_space<vmem_shared>>
    %dma_start3A_394 = tpu.memref_squeeze %dma_start3A_393 : memref<1x8x4096xf32, #tpu.memory_space<vmem_shared>> -> memref<8x4096xf32, #tpu.memory_space<vmem_shared>>
    %dma_start3A_395 = arith.constant 0 : i32
    %dma_start3A_396 = arith.constant 0 : i32
    %dma_start3A_397 = tpu.memref_slice %arg5[%dma_start3A_387, %dma_start3A_395, %dma_start3A_396] : memref<3x8x4096xf32, #tpu.memory_space<vmem>> -> memref<1x8x4096xf32, #tpu.memory_space<vmem>>
    %dma_start3A_398 = tpu.memref_squeeze %dma_start3A_397 : memref<1x8x4096xf32, #tpu.memory_space<vmem>> -> memref<8x4096xf32, #tpu.memory_space<vmem>>
    %dma_start3A_399 = arith.constant 0 : i32
    %dma_start3A_400 = tpu.memref_slice %arg4[%dma_start3A_386, %dma_start3A_399, %sub3A_385] : memref<4x8x6144xf32, #tpu.memory_space<vmem_shared>> -> memref<1x8x4096xf32, #tpu.memory_space<vmem_shared>>
    %dma_start3A_401 = tpu.memref_squeeze %dma_start3A_400 : memref<1x8x4096xf32, #tpu.memory_space<vmem_shared>> -> memref<8x4096xf32, #tpu.memory_space<vmem_shared>>
    tpu.enqueue_dma source(%dma_start3A_401 : memref<8x4096xf32, #tpu.memory_space<vmem_shared>>) target(%dma_start3A_398 : memref<8x4096xf32, #tpu.memory_space<vmem>>) target_semaphore(%arg6 : memref<!tpu.dma_semaphore, #tpu.memory_space<semaphore_mem>>)
    %dma_wait3A_402 = arith.constant 2 : i32
    %dma_wait3A_403 = arith.constant 0 : i32
    %dma_wait3A_404 = arith.constant 0 : i32
    %dma_wait3A_405 = arith.constant 0 : i32
    %dma_wait3A_406 = tpu.memref_slice %arg5[%dma_wait3A_403, %dma_wait3A_404, %dma_wait3A_405] : memref<3x8x4096xf32, #tpu.memory_space<vmem>> -> memref<1x8x4096xf32, #tpu.memory_space<vmem>>
    %dma_wait3A_407 = tpu.memref_squeeze %dma_wait3A_406 : memref<1x8x4096xf32, #tpu.memory_space<vmem>> -> memref<8x4096xf32, #tpu.memory_space<vmem>>
    %dma_wait3A_408 = arith.constant 0 : i32
    %dma_wait3A_409 = tpu.memref_slice %arg4[%dma_wait3A_402, %dma_wait3A_408, %sub3A_324] : memref<4x8x6144xf32, #tpu.memory_space<vmem_shared>> -> memref<1x8x4096xf32, #tpu.memory_space<vmem_shared>>
    %dma_wait3A_410 = tpu.memref_squeeze %dma_wait3A_409 : memref<1x8x4096xf32, #tpu.memory_space<vmem_shared>> -> memref<8x4096xf32, #tpu.memory_space<vmem_shared>>
    %dma_wait3A_411 = arith.constant 0 : i32
    %dma_wait3A_412 = arith.constant 0 : i32
    %dma_wait3A_413 = tpu.memref_slice %arg5[%dma_wait3A_403, %dma_wait3A_411, %dma_wait3A_412] : memref<3x8x4096xf32, #tpu.memory_space<vmem>> -> memref<1x8x4096xf32, #tpu.memory_space<vmem>>
    %dma_wait3A_414 = tpu.memref_squeeze %dma_wait3A_413 : memref<1x8x4096xf32, #tpu.memory_space<vmem>> -> memref<8x4096xf32, #tpu.memory_space<vmem>>
    %dma_wait3A_415 = arith.constant 0 : i32
    %dma_wait3A_416 = tpu.memref_slice %arg4[%dma_wait3A_402, %dma_wait3A_415, %sub3A_324] : memref<4x8x6144xf32, #tpu.memory_space<vmem_shared>> -> memref<1x8x4096xf32, #tpu.memory_space<vmem_shared>>
    %dma_wait3A_417 = tpu.memref_squeeze %dma_wait3A_416 : memref<1x8x4096xf32, #tpu.memory_space<vmem_shared>> -> memref<8x4096xf32, #tpu.memory_space<vmem_shared>>
    tpu.wait_dma2 semaphore(%arg6 : memref<!tpu.dma_semaphore, #tpu.memory_space<semaphore_mem>>) src(%dma_wait3A_417 : memref<8x4096xf32, #tpu.memory_space<vmem_shared>>) dst(%dma_wait3A_414 : memref<8x4096xf32, #tpu.memory_space<vmem>>)
    %add3A_418 = arith.constant 48 : i32
    %add3A_419 = arith.addi %mul3A_2, %add3A_418 : i32
    %dma_start3A_420 = arith.constant 0 : i32
    %dma_start3A_421 = arith.constant 0 : i32
    %dma_start3A_422 = arith.constant 0 : i32
    %dma_start3A_423 = tpu.memref_slice %arg5[%dma_start3A_420, %dma_start3A_421, %dma_start3A_422] : memref<3x8x4096xf32, #tpu.memory_space<vmem>> -> memref<1x8x4096xf32, #tpu.memory_space<vmem>>
    %dma_start3A_424 = tpu.memref_squeeze %dma_start3A_423 : memref<1x8x4096xf32, #tpu.memory_space<vmem>> -> memref<8x4096xf32, #tpu.memory_space<vmem>>
    %dma_start3A_425 = arith.constant 0 : i32
    %dma_start3A_426 = tpu.memref_slice %arg3[%add3A_419, %dma_start3A_425] : memref<4096x4096xf32, #tpu.memory_space<hbm>> -> memref<8x4096xf32, #tpu.memory_space<hbm>>
    %dma_start3A_427 = arith.constant 0 : i32
    %dma_start3A_428 = tpu.memref_slice %arg3[%add3A_419, %dma_start3A_427] : memref<4096x4096xf32, #tpu.memory_space<hbm>> -> memref<8x4096xf32, #tpu.memory_space<hbm>>
    %dma_start3A_429 = arith.constant 0 : i32
    %dma_start3A_430 = arith.constant 0 : i32
    %dma_start3A_431 = tpu.memref_slice %arg5[%dma_start3A_420, %dma_start3A_429, %dma_start3A_430] : memref<3x8x4096xf32, #tpu.memory_space<vmem>> -> memref<1x8x4096xf32, #tpu.memory_space<vmem>>
    %dma_start3A_432 = tpu.memref_squeeze %dma_start3A_431 : memref<1x8x4096xf32, #tpu.memory_space<vmem>> -> memref<8x4096xf32, #tpu.memory_space<vmem>>
    tpu.enqueue_dma source(%dma_start3A_432 : memref<8x4096xf32, #tpu.memory_space<vmem>>) target(%dma_start3A_428 : memref<8x4096xf32, #tpu.memory_space<hbm>>) target_semaphore(%arg7 : memref<!tpu.dma_semaphore, #tpu.memory_space<semaphore_mem>>)
    %dma_wait3A_433 = arith.constant 3 : i32
    %dma_wait3A_434 = arith.constant 1 : i32
    %dma_wait3A_435 = arith.constant 0 : i32
    %dma_wait3A_436 = arith.constant 0 : i32
    %dma_wait3A_437 = tpu.memref_slice %arg5[%dma_wait3A_434, %dma_wait3A_435, %dma_wait3A_436] : memref<3x8x4096xf32, #tpu.memory_space<vmem>> -> memref<1x8x4096xf32, #tpu.memory_space<vmem>>
    %dma_wait3A_438 = tpu.memref_squeeze %dma_wait3A_437 : memref<1x8x4096xf32, #tpu.memory_space<vmem>> -> memref<8x4096xf32, #tpu.memory_space<vmem>>
    %dma_wait3A_439 = arith.constant 0 : i32
    %dma_wait3A_440 = tpu.memref_slice %arg4[%dma_wait3A_433, %dma_wait3A_439, %sub3A_385] : memref<4x8x6144xf32, #tpu.memory_space<vmem_shared>> -> memref<1x8x4096xf32, #tpu.memory_space<vmem_shared>>
    %dma_wait3A_441 = tpu.memref_squeeze %dma_wait3A_440 : memref<1x8x4096xf32, #tpu.memory_space<vmem_shared>> -> memref<8x4096xf32, #tpu.memory_space<vmem_shared>>
    %dma_wait3A_442 = arith.constant 0 : i32
    %dma_wait3A_443 = arith.constant 0 : i32
    %dma_wait3A_444 = tpu.memref_slice %arg5[%dma_wait3A_434, %dma_wait3A_442, %dma_wait3A_443] : memref<3x8x4096xf32, #tpu.memory_space<vmem>> -> memref<1x8x4096xf32, #tpu.memory_space<vmem>>
    %dma_wait3A_445 = tpu.memref_squeeze %dma_wait3A_444 : memref<1x8x4096xf32, #tpu.memory_space<vmem>> -> memref<8x4096xf32, #tpu.memory_space<vmem>>
    %dma_wait3A_446 = arith.constant 0 : i32
    %dma_wait3A_447 = tpu.memref_slice %arg4[%dma_wait3A_433, %dma_wait3A_446, %sub3A_385] : memref<4x8x6144xf32, #tpu.memory_space<vmem_shared>> -> memref<1x8x4096xf32, #tpu.memory_space<vmem_shared>>
    %dma_wait3A_448 = tpu.memref_squeeze %dma_wait3A_447 : memref<1x8x4096xf32, #tpu.memory_space<vmem_shared>> -> memref<8x4096xf32, #tpu.memory_space<vmem_shared>>
    tpu.wait_dma2 semaphore(%arg6 : memref<!tpu.dma_semaphore, #tpu.memory_space<semaphore_mem>>) src(%dma_wait3A_448 : memref<8x4096xf32, #tpu.memory_space<vmem_shared>>) dst(%dma_wait3A_445 : memref<8x4096xf32, #tpu.memory_space<vmem>>)
    %add3A_449 = arith.constant 56 : i32
    %add3A_450 = arith.addi %mul3A_2, %add3A_449 : i32
    %dma_start3A_451 = arith.constant 1 : i32
    %dma_start3A_452 = arith.constant 0 : i32
    %dma_start3A_453 = arith.constant 0 : i32
    %dma_start3A_454 = tpu.memref_slice %arg5[%dma_start3A_451, %dma_start3A_452, %dma_start3A_453] : memref<3x8x4096xf32, #tpu.memory_space<vmem>> -> memref<1x8x4096xf32, #tpu.memory_space<vmem>>
    %dma_start3A_455 = tpu.memref_squeeze %dma_start3A_454 : memref<1x8x4096xf32, #tpu.memory_space<vmem>> -> memref<8x4096xf32, #tpu.memory_space<vmem>>
    %dma_start3A_456 = arith.constant 0 : i32
    %dma_start3A_457 = tpu.memref_slice %arg3[%add3A_450, %dma_start3A_456] : memref<4096x4096xf32, #tpu.memory_space<hbm>> -> memref<8x4096xf32, #tpu.memory_space<hbm>>
    %dma_start3A_458 = arith.constant 0 : i32
    %dma_start3A_459 = tpu.memref_slice %arg3[%add3A_450, %dma_start3A_458] : memref<4096x4096xf32, #tpu.memory_space<hbm>> -> memref<8x4096xf32, #tpu.memory_space<hbm>>
    %dma_start3A_460 = arith.constant 0 : i32
    %dma_start3A_461 = arith.constant 0 : i32
    %dma_start3A_462 = tpu.memref_slice %arg5[%dma_start3A_451, %dma_start3A_460, %dma_start3A_461] : memref<3x8x4096xf32, #tpu.memory_space<vmem>> -> memref<1x8x4096xf32, #tpu.memory_space<vmem>>
    %dma_start3A_463 = tpu.memref_squeeze %dma_start3A_462 : memref<1x8x4096xf32, #tpu.memory_space<vmem>> -> memref<8x4096xf32, #tpu.memory_space<vmem>>
    tpu.enqueue_dma source(%dma_start3A_463 : memref<8x4096xf32, #tpu.memory_space<vmem>>) target(%dma_start3A_459 : memref<8x4096xf32, #tpu.memory_space<hbm>>) target_semaphore(%arg7 : memref<!tpu.dma_semaphore, #tpu.memory_space<semaphore_mem>>)
    %barrier3A_464 = arith.constant 0 : index
    tpu.barrier barrier_id(%barrier3A_464)
    %lt3A_465 = arith.constant 4 : i32
    %lt3A_466 = arith.cmpi slt, %arg1, %lt3A_465 : i32
    %convert_element_type3A_467 = arith.extui %lt3A_466 : i1 to i32
    %cond3A_468 = arith.constant 0 : i32
    %cond3A_469 = arith.cmpi ne, %convert_element_type3A_467, %cond3A_468 : i32
    scf.if %cond3A_469 {
      %add3A_1005 = arith.constant 8 : i32
      %add3A_1006 = arith.addi %add3A_1005, %arg1 : i32
      %dma_start3A_1007 = arith.constant 0 : i32
      %dma_start3A_1008 = arith.constant 0 : i32
      %dma_start3A_1009 = tpu.memref_slice %arg4[%arg1, %dma_start3A_1007, %dma_start3A_1008] : memref<4x8x6144xf32, #tpu.memory_space<vmem_shared>> -> memref<1x8x6144xf32, #tpu.memory_space<vmem_shared>>
      %dma_start3A_1010 = tpu.memref_squeeze %dma_start3A_1009 : memref<1x8x6144xf32, #tpu.memory_space<vmem_shared>> -> memref<8x6144xf32, #tpu.memory_space<vmem_shared>>
      %dma_start3A_1011 = arith.constant 0 : i32
      %dma_start3A_1012 = tpu.memref_slice %arg2[%add3A_1006, %dma_start3A_1011, %mul3A_7] : memref<16x8x8192xf32, #tpu.memory_space<hbm>> -> memref<1x8x6144xf32, #tpu.memory_space<hbm>>
      %dma_start3A_1013 = tpu.memref_squeeze %dma_start3A_1012 : memref<1x8x6144xf32, #tpu.memory_space<hbm>> -> memref<8x6144xf32, #tpu.memory_space<hbm>>
      tpu.enqueue_dma source(%dma_start3A_1013 : memref<8x6144xf32, #tpu.memory_space<hbm>>) target(%dma_start3A_1010 : memref<8x6144xf32, #tpu.memory_space<vmem_shared>>) target_semaphore(%arg8 : memref<!tpu.dma_semaphore, #tpu.memory_space<semaphore_mem>>)
      %dma_wait3A_1014 = arith.constant 0 : i32
      %dma_wait3A_1015 = arith.constant 0 : i32
      %dma_wait3A_1016 = tpu.memref_slice %arg4[%arg1, %dma_wait3A_1014, %dma_wait3A_1015] : memref<4x8x6144xf32, #tpu.memory_space<vmem_shared>> -> memref<1x8x6144xf32, #tpu.memory_space<vmem_shared>>
      %dma_wait3A_1017 = tpu.memref_squeeze %dma_wait3A_1016 : memref<1x8x6144xf32, #tpu.memory_space<vmem_shared>> -> memref<8x6144xf32, #tpu.memory_space<vmem_shared>>
      %dma_wait3A_1018 = arith.constant 0 : i32
      %dma_wait3A_1019 = tpu.memref_slice %arg2[%add3A_1006, %dma_wait3A_1018, %mul3A_7] : memref<16x8x8192xf32, #tpu.memory_space<hbm>> -> memref<1x8x6144xf32, #tpu.memory_space<hbm>>
      %dma_wait3A_1020 = tpu.memref_squeeze %dma_wait3A_1019 : memref<1x8x6144xf32, #tpu.memory_space<hbm>> -> memref<8x6144xf32, #tpu.memory_space<hbm>>
      tpu.wait_dma2 semaphore(%arg8 : memref<!tpu.dma_semaphore, #tpu.memory_space<semaphore_mem>>) src(%dma_wait3A_1020 : memref<8x6144xf32, #tpu.memory_space<hbm>>) dst(%dma_wait3A_1017 : memref<8x6144xf32, #tpu.memory_space<vmem_shared>>)
    } else {
    }
    %barrier3A_470 = arith.constant 0 : index
    tpu.barrier barrier_id(%barrier3A_470)
    %dma_wait3A_471 = arith.constant 2 : i32
    %dma_wait3A_472 = arith.constant 0 : i32
    %dma_wait3A_473 = arith.constant 0 : i32
    %dma_wait3A_474 = tpu.memref_slice %arg5[%dma_wait3A_471, %dma_wait3A_472, %dma_wait3A_473] : memref<3x8x4096xf32, #tpu.memory_space<vmem>> -> memref<1x8x4096xf32, #tpu.memory_space<vmem>>
    %dma_wait3A_475 = tpu.memref_squeeze %dma_wait3A_474 : memref<1x8x4096xf32, #tpu.memory_space<vmem>> -> memref<8x4096xf32, #tpu.memory_space<vmem>>
    %dma_wait3A_476 = arith.constant 0 : i32
    %dma_wait3A_477 = tpu.memref_slice %arg3[%add3A_358, %dma_wait3A_476] : memref<4096x4096xf32, #tpu.memory_space<hbm>> -> memref<8x4096xf32, #tpu.memory_space<hbm>>
    %dma_wait3A_478 = arith.constant 0 : i32
    %dma_wait3A_479 = tpu.memref_slice %arg3[%add3A_358, %dma_wait3A_478] : memref<4096x4096xf32, #tpu.memory_space<hbm>> -> memref<8x4096xf32, #tpu.memory_space<hbm>>
    %dma_wait3A_480 = arith.constant 0 : i32
    %dma_wait3A_481 = arith.constant 0 : i32
    %dma_wait3A_482 = tpu.memref_slice %arg5[%dma_wait3A_471, %dma_wait3A_480, %dma_wait3A_481] : memref<3x8x4096xf32, #tpu.memory_space<vmem>> -> memref<1x8x4096xf32, #tpu.memory_space<vmem>>
    %dma_wait3A_483 = tpu.memref_squeeze %dma_wait3A_482 : memref<1x8x4096xf32, #tpu.memory_space<vmem>> -> memref<8x4096xf32, #tpu.memory_space<vmem>>
    tpu.wait_dma2 semaphore(%arg7 : memref<!tpu.dma_semaphore, #tpu.memory_space<semaphore_mem>>) src(%dma_wait3A_483 : memref<8x4096xf32, #tpu.memory_space<vmem>>) dst(%dma_wait3A_479 : memref<8x4096xf32, #tpu.memory_space<hbm>>)
    %sub3A_484 = arith.subi %sub3A_3, %mul3A_7 : i32
    %dma_start3A_485 = arith.constant 0 : i32
    %dma_start3A_486 = arith.constant 2 : i32
    %dma_start3A_487 = arith.constant 0 : i32
    %dma_start3A_488 = arith.constant 0 : i32
    %dma_start3A_489 = tpu.memref_slice %arg5[%dma_start3A_486, %dma_start3A_487, %dma_start3A_488] : memref<3x8x4096xf32, #tpu.memory_space<vmem>> -> memref<1x8x4096xf32, #tpu.memory_space<vmem>>
    %dma_start3A_490 = tpu.memref_squeeze %dma_start3A_489 : memref<1x8x4096xf32, #tpu.memory_space<vmem>> -> memref<8x4096xf32, #tpu.memory_space<vmem>>
    %dma_start3A_491 = arith.constant 0 : i32
    %dma_start3A_492 = tpu.memref_slice %arg4[%dma_start3A_485, %dma_start3A_491, %sub3A_484] : memref<4x8x6144xf32, #tpu.memory_space<vmem_shared>> -> memref<1x8x4096xf32, #tpu.memory_space<vmem_shared>>
    %dma_start3A_493 = tpu.memref_squeeze %dma_start3A_492 : memref<1x8x4096xf32, #tpu.memory_space<vmem_shared>> -> memref<8x4096xf32, #tpu.memory_space<vmem_shared>>
    %dma_start3A_494 = arith.constant 0 : i32
    %dma_start3A_495 = arith.constant 0 : i32
    %dma_start3A_496 = tpu.memref_slice %arg5[%dma_start3A_486, %dma_start3A_494, %dma_start3A_495] : memref<3x8x4096xf32, #tpu.memory_space<vmem>> -> memref<1x8x4096xf32, #tpu.memory_space<vmem>>
    %dma_start3A_497 = tpu.memref_squeeze %dma_start3A_496 : memref<1x8x4096xf32, #tpu.memory_space<vmem>> -> memref<8x4096xf32, #tpu.memory_space<vmem>>
    %dma_start3A_498 = arith.constant 0 : i32
    %dma_start3A_499 = tpu.memref_slice %arg4[%dma_start3A_485, %dma_start3A_498, %sub3A_484] : memref<4x8x6144xf32, #tpu.memory_space<vmem_shared>> -> memref<1x8x4096xf32, #tpu.memory_space<vmem_shared>>
    %dma_start3A_500 = tpu.memref_squeeze %dma_start3A_499 : memref<1x8x4096xf32, #tpu.memory_space<vmem_shared>> -> memref<8x4096xf32, #tpu.memory_space<vmem_shared>>
    tpu.enqueue_dma source(%dma_start3A_500 : memref<8x4096xf32, #tpu.memory_space<vmem_shared>>) target(%dma_start3A_497 : memref<8x4096xf32, #tpu.memory_space<vmem>>) target_semaphore(%arg6 : memref<!tpu.dma_semaphore, #tpu.memory_space<semaphore_mem>>)
    %dma_wait3A_501 = arith.constant 0 : i32
    %dma_wait3A_502 = arith.constant 0 : i32
    %dma_wait3A_503 = arith.constant 0 : i32
    %dma_wait3A_504 = tpu.memref_slice %arg5[%dma_wait3A_501, %dma_wait3A_502, %dma_wait3A_503] : memref<3x8x4096xf32, #tpu.memory_space<vmem>> -> memref<1x8x4096xf32, #tpu.memory_space<vmem>>
    %dma_wait3A_505 = tpu.memref_squeeze %dma_wait3A_504 : memref<1x8x4096xf32, #tpu.memory_space<vmem>> -> memref<8x4096xf32, #tpu.memory_space<vmem>>
    %dma_wait3A_506 = arith.constant 0 : i32
    %dma_wait3A_507 = tpu.memref_slice %arg3[%add3A_419, %dma_wait3A_506] : memref<4096x4096xf32, #tpu.memory_space<hbm>> -> memref<8x4096xf32, #tpu.memory_space<hbm>>
    %dma_wait3A_508 = arith.constant 0 : i32
    %dma_wait3A_509 = tpu.memref_slice %arg3[%add3A_419, %dma_wait3A_508] : memref<4096x4096xf32, #tpu.memory_space<hbm>> -> memref<8x4096xf32, #tpu.memory_space<hbm>>
    %dma_wait3A_510 = arith.constant 0 : i32
    %dma_wait3A_511 = arith.constant 0 : i32
    %dma_wait3A_512 = tpu.memref_slice %arg5[%dma_wait3A_501, %dma_wait3A_510, %dma_wait3A_511] : memref<3x8x4096xf32, #tpu.memory_space<vmem>> -> memref<1x8x4096xf32, #tpu.memory_space<vmem>>
    %dma_wait3A_513 = tpu.memref_squeeze %dma_wait3A_512 : memref<1x8x4096xf32, #tpu.memory_space<vmem>> -> memref<8x4096xf32, #tpu.memory_space<vmem>>
    tpu.wait_dma2 semaphore(%arg7 : memref<!tpu.dma_semaphore, #tpu.memory_space<semaphore_mem>>) src(%dma_wait3A_513 : memref<8x4096xf32, #tpu.memory_space<vmem>>) dst(%dma_wait3A_509 : memref<8x4096xf32, #tpu.memory_space<hbm>>)
    %sub3A_514 = arith.subi %sub3A_3, %mul3A_7 : i32
    %dma_start3A_515 = arith.constant 1 : i32
    %dma_start3A_516 = arith.constant 0 : i32
    %dma_start3A_517 = arith.constant 0 : i32
    %dma_start3A_518 = arith.constant 0 : i32
    %dma_start3A_519 = tpu.memref_slice %arg5[%dma_start3A_516, %dma_start3A_517, %dma_start3A_518] : memref<3x8x4096xf32, #tpu.memory_space<vmem>> -> memref<1x8x4096xf32, #tpu.memory_space<vmem>>
    %dma_start3A_520 = tpu.memref_squeeze %dma_start3A_519 : memref<1x8x4096xf32, #tpu.memory_space<vmem>> -> memref<8x4096xf32, #tpu.memory_space<vmem>>
    %dma_start3A_521 = arith.constant 0 : i32
    %dma_start3A_522 = tpu.memref_slice %arg4[%dma_start3A_515, %dma_start3A_521, %sub3A_514] : memref<4x8x6144xf32, #tpu.memory_space<vmem_shared>> -> memref<1x8x4096xf32, #tpu.memory_space<vmem_shared>>
    %dma_start3A_523 = tpu.memref_squeeze %dma_start3A_522 : memref<1x8x4096xf32, #tpu.memory_space<vmem_shared>> -> memref<8x4096xf32, #tpu.memory_space<vmem_shared>>
    %dma_start3A_524 = arith.constant 0 : i32
    %dma_start3A_525 = arith.constant 0 : i32
    %dma_start3A_526 = tpu.memref_slice %arg5[%dma_start3A_516, %dma_start3A_524, %dma_start3A_525] : memref<3x8x4096xf32, #tpu.memory_space<vmem>> -> memref<1x8x4096xf32, #tpu.memory_space<vmem>>
    %dma_start3A_527 = tpu.memref_squeeze %dma_start3A_526 : memref<1x8x4096xf32, #tpu.memory_space<vmem>> -> memref<8x4096xf32, #tpu.memory_space<vmem>>
    %dma_start3A_528 = arith.constant 0 : i32
    %dma_start3A_529 = tpu.memref_slice %arg4[%dma_start3A_515, %dma_start3A_528, %sub3A_514] : memref<4x8x6144xf32, #tpu.memory_space<vmem_shared>> -> memref<1x8x4096xf32, #tpu.memory_space<vmem_shared>>
    %dma_start3A_530 = tpu.memref_squeeze %dma_start3A_529 : memref<1x8x4096xf32, #tpu.memory_space<vmem_shared>> -> memref<8x4096xf32, #tpu.memory_space<vmem_shared>>
    tpu.enqueue_dma source(%dma_start3A_530 : memref<8x4096xf32, #tpu.memory_space<vmem_shared>>) target(%dma_start3A_527 : memref<8x4096xf32, #tpu.memory_space<vmem>>) target_semaphore(%arg6 : memref<!tpu.dma_semaphore, #tpu.memory_space<semaphore_mem>>)
    %dma_wait3A_531 = arith.constant 0 : i32
    %dma_wait3A_532 = arith.constant 2 : i32
    %dma_wait3A_533 = arith.constant 0 : i32
    %dma_wait3A_534 = arith.constant 0 : i32
    %dma_wait3A_535 = tpu.memref_slice %arg5[%dma_wait3A_532, %dma_wait3A_533, %dma_wait3A_534] : memref<3x8x4096xf32, #tpu.memory_space<vmem>> -> memref<1x8x4096xf32, #tpu.memory_space<vmem>>
    %dma_wait3A_536 = tpu.memref_squeeze %dma_wait3A_535 : memref<1x8x4096xf32, #tpu.memory_space<vmem>> -> memref<8x4096xf32, #tpu.memory_space<vmem>>
    %dma_wait3A_537 = arith.constant 0 : i32
    %dma_wait3A_538 = tpu.memref_slice %arg4[%dma_wait3A_531, %dma_wait3A_537, %sub3A_484] : memref<4x8x6144xf32, #tpu.memory_space<vmem_shared>> -> memref<1x8x4096xf32, #tpu.memory_space<vmem_shared>>
    %dma_wait3A_539 = tpu.memref_squeeze %dma_wait3A_538 : memref<1x8x4096xf32, #tpu.memory_space<vmem_shared>> -> memref<8x4096xf32, #tpu.memory_space<vmem_shared>>
    %dma_wait3A_540 = arith.constant 0 : i32
    %dma_wait3A_541 = arith.constant 0 : i32
    %dma_wait3A_542 = tpu.memref_slice %arg5[%dma_wait3A_532, %dma_wait3A_540, %dma_wait3A_541] : memref<3x8x4096xf32, #tpu.memory_space<vmem>> -> memref<1x8x4096xf32, #tpu.memory_space<vmem>>
    %dma_wait3A_543 = tpu.memref_squeeze %dma_wait3A_542 : memref<1x8x4096xf32, #tpu.memory_space<vmem>> -> memref<8x4096xf32, #tpu.memory_space<vmem>>
    %dma_wait3A_544 = arith.constant 0 : i32
    %dma_wait3A_545 = tpu.memref_slice %arg4[%dma_wait3A_531, %dma_wait3A_544, %sub3A_484] : memref<4x8x6144xf32, #tpu.memory_space<vmem_shared>> -> memref<1x8x4096xf32, #tpu.memory_space<vmem_shared>>
    %dma_wait3A_546 = tpu.memref_squeeze %dma_wait3A_545 : memref<1x8x4096xf32, #tpu.memory_space<vmem_shared>> -> memref<8x4096xf32, #tpu.memory_space<vmem_shared>>
    tpu.wait_dma2 semaphore(%arg6 : memref<!tpu.dma_semaphore, #tpu.memory_space<semaphore_mem>>) src(%dma_wait3A_546 : memref<8x4096xf32, #tpu.memory_space<vmem_shared>>) dst(%dma_wait3A_543 : memref<8x4096xf32, #tpu.memory_space<vmem>>)
    %add3A_547 = arith.constant 64 : i32
    %add3A_548 = arith.addi %mul3A_2, %add3A_547 : i32
    %dma_start3A_549 = arith.constant 2 : i32
    %dma_start3A_550 = arith.constant 0 : i32
    %dma_start3A_551 = arith.constant 0 : i32
    %dma_start3A_552 = tpu.memref_slice %arg5[%dma_start3A_549, %dma_start3A_550, %dma_start3A_551] : memref<3x8x4096xf32, #tpu.memory_space<vmem>> -> memref<1x8x4096xf32, #tpu.memory_space<vmem>>
    %dma_start3A_553 = tpu.memref_squeeze %dma_start3A_552 : memref<1x8x4096xf32, #tpu.memory_space<vmem>> -> memref<8x4096xf32, #tpu.memory_space<vmem>>
    %dma_start3A_554 = arith.constant 0 : i32
    %dma_start3A_555 = tpu.memref_slice %arg3[%add3A_548, %dma_start3A_554] : memref<4096x4096xf32, #tpu.memory_space<hbm>> -> memref<8x4096xf32, #tpu.memory_space<hbm>>
    %dma_start3A_556 = arith.constant 0 : i32
    %dma_start3A_557 = tpu.memref_slice %arg3[%add3A_548, %dma_start3A_556] : memref<4096x4096xf32, #tpu.memory_space<hbm>> -> memref<8x4096xf32, #tpu.memory_space<hbm>>
    %dma_start3A_558 = arith.constant 0 : i32
    %dma_start3A_559 = arith.constant 0 : i32
    %dma_start3A_560 = tpu.memref_slice %arg5[%dma_start3A_549, %dma_start3A_558, %dma_start3A_559] : memref<3x8x4096xf32, #tpu.memory_space<vmem>> -> memref<1x8x4096xf32, #tpu.memory_space<vmem>>
    %dma_start3A_561 = tpu.memref_squeeze %dma_start3A_560 : memref<1x8x4096xf32, #tpu.memory_space<vmem>> -> memref<8x4096xf32, #tpu.memory_space<vmem>>
    tpu.enqueue_dma source(%dma_start3A_561 : memref<8x4096xf32, #tpu.memory_space<vmem>>) target(%dma_start3A_557 : memref<8x4096xf32, #tpu.memory_space<hbm>>) target_semaphore(%arg7 : memref<!tpu.dma_semaphore, #tpu.memory_space<semaphore_mem>>)
    %dma_wait3A_562 = arith.constant 1 : i32
    %dma_wait3A_563 = arith.constant 0 : i32
    %dma_wait3A_564 = arith.constant 0 : i32
    %dma_wait3A_565 = tpu.memref_slice %arg5[%dma_wait3A_562, %dma_wait3A_563, %dma_wait3A_564] : memref<3x8x4096xf32, #tpu.memory_space<vmem>> -> memref<1x8x4096xf32, #tpu.memory_space<vmem>>
    %dma_wait3A_566 = tpu.memref_squeeze %dma_wait3A_565 : memref<1x8x4096xf32, #tpu.memory_space<vmem>> -> memref<8x4096xf32, #tpu.memory_space<vmem>>
    %dma_wait3A_567 = arith.constant 0 : i32
    %dma_wait3A_568 = tpu.memref_slice %arg3[%add3A_450, %dma_wait3A_567] : memref<4096x4096xf32, #tpu.memory_space<hbm>> -> memref<8x4096xf32, #tpu.memory_space<hbm>>
    %dma_wait3A_569 = arith.constant 0 : i32
    %dma_wait3A_570 = tpu.memref_slice %arg3[%add3A_450, %dma_wait3A_569] : memref<4096x4096xf32, #tpu.memory_space<hbm>> -> memref<8x4096xf32, #tpu.memory_space<hbm>>
    %dma_wait3A_571 = arith.constant 0 : i32
    %dma_wait3A_572 = arith.constant 0 : i32
    %dma_wait3A_573 = tpu.memref_slice %arg5[%dma_wait3A_562, %dma_wait3A_571, %dma_wait3A_572] : memref<3x8x4096xf32, #tpu.memory_space<vmem>> -> memref<1x8x4096xf32, #tpu.memory_space<vmem>>
    %dma_wait3A_574 = tpu.memref_squeeze %dma_wait3A_573 : memref<1x8x4096xf32, #tpu.memory_space<vmem>> -> memref<8x4096xf32, #tpu.memory_space<vmem>>
    tpu.wait_dma2 semaphore(%arg7 : memref<!tpu.dma_semaphore, #tpu.memory_space<semaphore_mem>>) src(%dma_wait3A_574 : memref<8x4096xf32, #tpu.memory_space<vmem>>) dst(%dma_wait3A_570 : memref<8x4096xf32, #tpu.memory_space<hbm>>)
    %sub3A_575 = arith.subi %sub3A_3, %mul3A_7 : i32
    %dma_start3A_576 = arith.constant 2 : i32
    %dma_start3A_577 = arith.constant 1 : i32
    %dma_start3A_578 = arith.constant 0 : i32
    %dma_start3A_579 = arith.constant 0 : i32
    %dma_start3A_580 = tpu.memref_slice %arg5[%dma_start3A_577, %dma_start3A_578, %dma_start3A_579] : memref<3x8x4096xf32, #tpu.memory_space<vmem>> -> memref<1x8x4096xf32, #tpu.memory_space<vmem>>
    %dma_start3A_581 = tpu.memref_squeeze %dma_start3A_580 : memref<1x8x4096xf32, #tpu.memory_space<vmem>> -> memref<8x4096xf32, #tpu.memory_space<vmem>>
    %dma_start3A_582 = arith.constant 0 : i32
    %dma_start3A_583 = tpu.memref_slice %arg4[%dma_start3A_576, %dma_start3A_582, %sub3A_575] : memref<4x8x6144xf32, #tpu.memory_space<vmem_shared>> -> memref<1x8x4096xf32, #tpu.memory_space<vmem_shared>>
    %dma_start3A_584 = tpu.memref_squeeze %dma_start3A_583 : memref<1x8x4096xf32, #tpu.memory_space<vmem_shared>> -> memref<8x4096xf32, #tpu.memory_space<vmem_shared>>
    %dma_start3A_585 = arith.constant 0 : i32
    %dma_start3A_586 = arith.constant 0 : i32
    %dma_start3A_587 = tpu.memref_slice %arg5[%dma_start3A_577, %dma_start3A_585, %dma_start3A_586] : memref<3x8x4096xf32, #tpu.memory_space<vmem>> -> memref<1x8x4096xf32, #tpu.memory_space<vmem>>
    %dma_start3A_588 = tpu.memref_squeeze %dma_start3A_587 : memref<1x8x4096xf32, #tpu.memory_space<vmem>> -> memref<8x4096xf32, #tpu.memory_space<vmem>>
    %dma_start3A_589 = arith.constant 0 : i32
    %dma_start3A_590 = tpu.memref_slice %arg4[%dma_start3A_576, %dma_start3A_589, %sub3A_575] : memref<4x8x6144xf32, #tpu.memory_space<vmem_shared>> -> memref<1x8x4096xf32, #tpu.memory_space<vmem_shared>>
    %dma_start3A_591 = tpu.memref_squeeze %dma_start3A_590 : memref<1x8x4096xf32, #tpu.memory_space<vmem_shared>> -> memref<8x4096xf32, #tpu.memory_space<vmem_shared>>
    tpu.enqueue_dma source(%dma_start3A_591 : memref<8x4096xf32, #tpu.memory_space<vmem_shared>>) target(%dma_start3A_588 : memref<8x4096xf32, #tpu.memory_space<vmem>>) target_semaphore(%arg6 : memref<!tpu.dma_semaphore, #tpu.memory_space<semaphore_mem>>)
    %dma_wait3A_592 = arith.constant 1 : i32
    %dma_wait3A_593 = arith.constant 0 : i32
    %dma_wait3A_594 = arith.constant 0 : i32
    %dma_wait3A_595 = arith.constant 0 : i32
    %dma_wait3A_596 = tpu.memref_slice %arg5[%dma_wait3A_593, %dma_wait3A_594, %dma_wait3A_595] : memref<3x8x4096xf32, #tpu.memory_space<vmem>> -> memref<1x8x4096xf32, #tpu.memory_space<vmem>>
    %dma_wait3A_597 = tpu.memref_squeeze %dma_wait3A_596 : memref<1x8x4096xf32, #tpu.memory_space<vmem>> -> memref<8x4096xf32, #tpu.memory_space<vmem>>
    %dma_wait3A_598 = arith.constant 0 : i32
    %dma_wait3A_599 = tpu.memref_slice %arg4[%dma_wait3A_592, %dma_wait3A_598, %sub3A_514] : memref<4x8x6144xf32, #tpu.memory_space<vmem_shared>> -> memref<1x8x4096xf32, #tpu.memory_space<vmem_shared>>
    %dma_wait3A_600 = tpu.memref_squeeze %dma_wait3A_599 : memref<1x8x4096xf32, #tpu.memory_space<vmem_shared>> -> memref<8x4096xf32, #tpu.memory_space<vmem_shared>>
    %dma_wait3A_601 = arith.constant 0 : i32
    %dma_wait3A_602 = arith.constant 0 : i32
    %dma_wait3A_603 = tpu.memref_slice %arg5[%dma_wait3A_593, %dma_wait3A_601, %dma_wait3A_602] : memref<3x8x4096xf32, #tpu.memory_space<vmem>> -> memref<1x8x4096xf32, #tpu.memory_space<vmem>>
    %dma_wait3A_604 = tpu.memref_squeeze %dma_wait3A_603 : memref<1x8x4096xf32, #tpu.memory_space<vmem>> -> memref<8x4096xf32, #tpu.memory_space<vmem>>
    %dma_wait3A_605 = arith.constant 0 : i32
    %dma_wait3A_606 = tpu.memref_slice %arg4[%dma_wait3A_592, %dma_wait3A_605, %sub3A_514] : memref<4x8x6144xf32, #tpu.memory_space<vmem_shared>> -> memref<1x8x4096xf32, #tpu.memory_space<vmem_shared>>
    %dma_wait3A_607 = tpu.memref_squeeze %dma_wait3A_606 : memref<1x8x4096xf32, #tpu.memory_space<vmem_shared>> -> memref<8x4096xf32, #tpu.memory_space<vmem_shared>>
    tpu.wait_dma2 semaphore(%arg6 : memref<!tpu.dma_semaphore, #tpu.memory_space<semaphore_mem>>) src(%dma_wait3A_607 : memref<8x4096xf32, #tpu.memory_space<vmem_shared>>) dst(%dma_wait3A_604 : memref<8x4096xf32, #tpu.memory_space<vmem>>)
    %add3A_608 = arith.constant 72 : i32
    %add3A_609 = arith.addi %mul3A_2, %add3A_608 : i32
    %dma_start3A_610 = arith.constant 0 : i32
    %dma_start3A_611 = arith.constant 0 : i32
    %dma_start3A_612 = arith.constant 0 : i32
    %dma_start3A_613 = tpu.memref_slice %arg5[%dma_start3A_610, %dma_start3A_611, %dma_start3A_612] : memref<3x8x4096xf32, #tpu.memory_space<vmem>> -> memref<1x8x4096xf32, #tpu.memory_space<vmem>>
    %dma_start3A_614 = tpu.memref_squeeze %dma_start3A_613 : memref<1x8x4096xf32, #tpu.memory_space<vmem>> -> memref<8x4096xf32, #tpu.memory_space<vmem>>
    %dma_start3A_615 = arith.constant 0 : i32
    %dma_start3A_616 = tpu.memref_slice %arg3[%add3A_609, %dma_start3A_615] : memref<4096x4096xf32, #tpu.memory_space<hbm>> -> memref<8x4096xf32, #tpu.memory_space<hbm>>
    %dma_start3A_617 = arith.constant 0 : i32
    %dma_start3A_618 = tpu.memref_slice %arg3[%add3A_609, %dma_start3A_617] : memref<4096x4096xf32, #tpu.memory_space<hbm>> -> memref<8x4096xf32, #tpu.memory_space<hbm>>
    %dma_start3A_619 = arith.constant 0 : i32
    %dma_start3A_620 = arith.constant 0 : i32
    %dma_start3A_621 = tpu.memref_slice %arg5[%dma_start3A_610, %dma_start3A_619, %dma_start3A_620] : memref<3x8x4096xf32, #tpu.memory_space<vmem>> -> memref<1x8x4096xf32, #tpu.memory_space<vmem>>
    %dma_start3A_622 = tpu.memref_squeeze %dma_start3A_621 : memref<1x8x4096xf32, #tpu.memory_space<vmem>> -> memref<8x4096xf32, #tpu.memory_space<vmem>>
    tpu.enqueue_dma source(%dma_start3A_622 : memref<8x4096xf32, #tpu.memory_space<vmem>>) target(%dma_start3A_618 : memref<8x4096xf32, #tpu.memory_space<hbm>>) target_semaphore(%arg7 : memref<!tpu.dma_semaphore, #tpu.memory_space<semaphore_mem>>)
    %dma_wait3A_623 = arith.constant 2 : i32
    %dma_wait3A_624 = arith.constant 0 : i32
    %dma_wait3A_625 = arith.constant 0 : i32
    %dma_wait3A_626 = tpu.memref_slice %arg5[%dma_wait3A_623, %dma_wait3A_624, %dma_wait3A_625] : memref<3x8x4096xf32, #tpu.memory_space<vmem>> -> memref<1x8x4096xf32, #tpu.memory_space<vmem>>
    %dma_wait3A_627 = tpu.memref_squeeze %dma_wait3A_626 : memref<1x8x4096xf32, #tpu.memory_space<vmem>> -> memref<8x4096xf32, #tpu.memory_space<vmem>>
    %dma_wait3A_628 = arith.constant 0 : i32
    %dma_wait3A_629 = tpu.memref_slice %arg3[%add3A_548, %dma_wait3A_628] : memref<4096x4096xf32, #tpu.memory_space<hbm>> -> memref<8x4096xf32, #tpu.memory_space<hbm>>
    %dma_wait3A_630 = arith.constant 0 : i32
    %dma_wait3A_631 = tpu.memref_slice %arg3[%add3A_548, %dma_wait3A_630] : memref<4096x4096xf32, #tpu.memory_space<hbm>> -> memref<8x4096xf32, #tpu.memory_space<hbm>>
    %dma_wait3A_632 = arith.constant 0 : i32
    %dma_wait3A_633 = arith.constant 0 : i32
    %dma_wait3A_634 = tpu.memref_slice %arg5[%dma_wait3A_623, %dma_wait3A_632, %dma_wait3A_633] : memref<3x8x4096xf32, #tpu.memory_space<vmem>> -> memref<1x8x4096xf32, #tpu.memory_space<vmem>>
    %dma_wait3A_635 = tpu.memref_squeeze %dma_wait3A_634 : memref<1x8x4096xf32, #tpu.memory_space<vmem>> -> memref<8x4096xf32, #tpu.memory_space<vmem>>
    tpu.wait_dma2 semaphore(%arg7 : memref<!tpu.dma_semaphore, #tpu.memory_space<semaphore_mem>>) src(%dma_wait3A_635 : memref<8x4096xf32, #tpu.memory_space<vmem>>) dst(%dma_wait3A_631 : memref<8x4096xf32, #tpu.memory_space<hbm>>)
    %sub3A_636 = arith.subi %sub3A_3, %mul3A_7 : i32
    %dma_start3A_637 = arith.constant 3 : i32
    %dma_start3A_638 = arith.constant 2 : i32
    %dma_start3A_639 = arith.constant 0 : i32
    %dma_start3A_640 = arith.constant 0 : i32
    %dma_start3A_641 = tpu.memref_slice %arg5[%dma_start3A_638, %dma_start3A_639, %dma_start3A_640] : memref<3x8x4096xf32, #tpu.memory_space<vmem>> -> memref<1x8x4096xf32, #tpu.memory_space<vmem>>
    %dma_start3A_642 = tpu.memref_squeeze %dma_start3A_641 : memref<1x8x4096xf32, #tpu.memory_space<vmem>> -> memref<8x4096xf32, #tpu.memory_space<vmem>>
    %dma_start3A_643 = arith.constant 0 : i32
    %dma_start3A_644 = tpu.memref_slice %arg4[%dma_start3A_637, %dma_start3A_643, %sub3A_636] : memref<4x8x6144xf32, #tpu.memory_space<vmem_shared>> -> memref<1x8x4096xf32, #tpu.memory_space<vmem_shared>>
    %dma_start3A_645 = tpu.memref_squeeze %dma_start3A_644 : memref<1x8x4096xf32, #tpu.memory_space<vmem_shared>> -> memref<8x4096xf32, #tpu.memory_space<vmem_shared>>
    %dma_start3A_646 = arith.constant 0 : i32
    %dma_start3A_647 = arith.constant 0 : i32
    %dma_start3A_648 = tpu.memref_slice %arg5[%dma_start3A_638, %dma_start3A_646, %dma_start3A_647] : memref<3x8x4096xf32, #tpu.memory_space<vmem>> -> memref<1x8x4096xf32, #tpu.memory_space<vmem>>
    %dma_start3A_649 = tpu.memref_squeeze %dma_start3A_648 : memref<1x8x4096xf32, #tpu.memory_space<vmem>> -> memref<8x4096xf32, #tpu.memory_space<vmem>>
    %dma_start3A_650 = arith.constant 0 : i32
    %dma_start3A_651 = tpu.memref_slice %arg4[%dma_start3A_637, %dma_start3A_650, %sub3A_636] : memref<4x8x6144xf32, #tpu.memory_space<vmem_shared>> -> memref<1x8x4096xf32, #tpu.memory_space<vmem_shared>>
    %dma_start3A_652 = tpu.memref_squeeze %dma_start3A_651 : memref<1x8x4096xf32, #tpu.memory_space<vmem_shared>> -> memref<8x4096xf32, #tpu.memory_space<vmem_shared>>
    tpu.enqueue_dma source(%dma_start3A_652 : memref<8x4096xf32, #tpu.memory_space<vmem_shared>>) target(%dma_start3A_649 : memref<8x4096xf32, #tpu.memory_space<vmem>>) target_semaphore(%arg6 : memref<!tpu.dma_semaphore, #tpu.memory_space<semaphore_mem>>)
    %dma_wait3A_653 = arith.constant 2 : i32
    %dma_wait3A_654 = arith.constant 1 : i32
    %dma_wait3A_655 = arith.constant 0 : i32
    %dma_wait3A_656 = arith.constant 0 : i32
    %dma_wait3A_657 = tpu.memref_slice %arg5[%dma_wait3A_654, %dma_wait3A_655, %dma_wait3A_656] : memref<3x8x4096xf32, #tpu.memory_space<vmem>> -> memref<1x8x4096xf32, #tpu.memory_space<vmem>>
    %dma_wait3A_658 = tpu.memref_squeeze %dma_wait3A_657 : memref<1x8x4096xf32, #tpu.memory_space<vmem>> -> memref<8x4096xf32, #tpu.memory_space<vmem>>
    %dma_wait3A_659 = arith.constant 0 : i32
    %dma_wait3A_660 = tpu.memref_slice %arg4[%dma_wait3A_653, %dma_wait3A_659, %sub3A_575] : memref<4x8x6144xf32, #tpu.memory_space<vmem_shared>> -> memref<1x8x4096xf32, #tpu.memory_space<vmem_shared>>
    %dma_wait3A_661 = tpu.memref_squeeze %dma_wait3A_660 : memref<1x8x4096xf32, #tpu.memory_space<vmem_shared>> -> memref<8x4096xf32, #tpu.memory_space<vmem_shared>>
    %dma_wait3A_662 = arith.constant 0 : i32
    %dma_wait3A_663 = arith.constant 0 : i32
    %dma_wait3A_664 = tpu.memref_slice %arg5[%dma_wait3A_654, %dma_wait3A_662, %dma_wait3A_663] : memref<3x8x4096xf32, #tpu.memory_space<vmem>> -> memref<1x8x4096xf32, #tpu.memory_space<vmem>>
    %dma_wait3A_665 = tpu.memref_squeeze %dma_wait3A_664 : memref<1x8x4096xf32, #tpu.memory_space<vmem>> -> memref<8x4096xf32, #tpu.memory_space<vmem>>
    %dma_wait3A_666 = arith.constant 0 : i32
    %dma_wait3A_667 = tpu.memref_slice %arg4[%dma_wait3A_653, %dma_wait3A_666, %sub3A_575] : memref<4x8x6144xf32, #tpu.memory_space<vmem_shared>> -> memref<1x8x4096xf32, #tpu.memory_space<vmem_shared>>
    %dma_wait3A_668 = tpu.memref_squeeze %dma_wait3A_667 : memref<1x8x4096xf32, #tpu.memory_space<vmem_shared>> -> memref<8x4096xf32, #tpu.memory_space<vmem_shared>>
    tpu.wait_dma2 semaphore(%arg6 : memref<!tpu.dma_semaphore, #tpu.memory_space<semaphore_mem>>) src(%dma_wait3A_668 : memref<8x4096xf32, #tpu.memory_space<vmem_shared>>) dst(%dma_wait3A_665 : memref<8x4096xf32, #tpu.memory_space<vmem>>)
    %add3A_669 = arith.constant 80 : i32
    %add3A_670 = arith.addi %mul3A_2, %add3A_669 : i32
    %dma_start3A_671 = arith.constant 1 : i32
    %dma_start3A_672 = arith.constant 0 : i32
    %dma_start3A_673 = arith.constant 0 : i32
    %dma_start3A_674 = tpu.memref_slice %arg5[%dma_start3A_671, %dma_start3A_672, %dma_start3A_673] : memref<3x8x4096xf32, #tpu.memory_space<vmem>> -> memref<1x8x4096xf32, #tpu.memory_space<vmem>>
    %dma_start3A_675 = tpu.memref_squeeze %dma_start3A_674 : memref<1x8x4096xf32, #tpu.memory_space<vmem>> -> memref<8x4096xf32, #tpu.memory_space<vmem>>
    %dma_start3A_676 = arith.constant 0 : i32
    %dma_start3A_677 = tpu.memref_slice %arg3[%add3A_670, %dma_start3A_676] : memref<4096x4096xf32, #tpu.memory_space<hbm>> -> memref<8x4096xf32, #tpu.memory_space<hbm>>
    %dma_start3A_678 = arith.constant 0 : i32
    %dma_start3A_679 = tpu.memref_slice %arg3[%add3A_670, %dma_start3A_678] : memref<4096x4096xf32, #tpu.memory_space<hbm>> -> memref<8x4096xf32, #tpu.memory_space<hbm>>
    %dma_start3A_680 = arith.constant 0 : i32
    %dma_start3A_681 = arith.constant 0 : i32
    %dma_start3A_682 = tpu.memref_slice %arg5[%dma_start3A_671, %dma_start3A_680, %dma_start3A_681] : memref<3x8x4096xf32, #tpu.memory_space<vmem>> -> memref<1x8x4096xf32, #tpu.memory_space<vmem>>
    %dma_start3A_683 = tpu.memref_squeeze %dma_start3A_682 : memref<1x8x4096xf32, #tpu.memory_space<vmem>> -> memref<8x4096xf32, #tpu.memory_space<vmem>>
    tpu.enqueue_dma source(%dma_start3A_683 : memref<8x4096xf32, #tpu.memory_space<vmem>>) target(%dma_start3A_679 : memref<8x4096xf32, #tpu.memory_space<hbm>>) target_semaphore(%arg7 : memref<!tpu.dma_semaphore, #tpu.memory_space<semaphore_mem>>)
    %dma_wait3A_684 = arith.constant 3 : i32
    %dma_wait3A_685 = arith.constant 2 : i32
    %dma_wait3A_686 = arith.constant 0 : i32
    %dma_wait3A_687 = arith.constant 0 : i32
    %dma_wait3A_688 = tpu.memref_slice %arg5[%dma_wait3A_685, %dma_wait3A_686, %dma_wait3A_687] : memref<3x8x4096xf32, #tpu.memory_space<vmem>> -> memref<1x8x4096xf32, #tpu.memory_space<vmem>>
    %dma_wait3A_689 = tpu.memref_squeeze %dma_wait3A_688 : memref<1x8x4096xf32, #tpu.memory_space<vmem>> -> memref<8x4096xf32, #tpu.memory_space<vmem>>
    %dma_wait3A_690 = arith.constant 0 : i32
    %dma_wait3A_691 = tpu.memref_slice %arg4[%dma_wait3A_684, %dma_wait3A_690, %sub3A_636] : memref<4x8x6144xf32, #tpu.memory_space<vmem_shared>> -> memref<1x8x4096xf32, #tpu.memory_space<vmem_shared>>
    %dma_wait3A_692 = tpu.memref_squeeze %dma_wait3A_691 : memref<1x8x4096xf32, #tpu.memory_space<vmem_shared>> -> memref<8x4096xf32, #tpu.memory_space<vmem_shared>>
    %dma_wait3A_693 = arith.constant 0 : i32
    %dma_wait3A_694 = arith.constant 0 : i32
    %dma_wait3A_695 = tpu.memref_slice %arg5[%dma_wait3A_685, %dma_wait3A_693, %dma_wait3A_694] : memref<3x8x4096xf32, #tpu.memory_space<vmem>> -> memref<1x8x4096xf32, #tpu.memory_space<vmem>>
    %dma_wait3A_696 = tpu.memref_squeeze %dma_wait3A_695 : memref<1x8x4096xf32, #tpu.memory_space<vmem>> -> memref<8x4096xf32, #tpu.memory_space<vmem>>
    %dma_wait3A_697 = arith.constant 0 : i32
    %dma_wait3A_698 = tpu.memref_slice %arg4[%dma_wait3A_684, %dma_wait3A_697, %sub3A_636] : memref<4x8x6144xf32, #tpu.memory_space<vmem_shared>> -> memref<1x8x4096xf32, #tpu.memory_space<vmem_shared>>
    %dma_wait3A_699 = tpu.memref_squeeze %dma_wait3A_698 : memref<1x8x4096xf32, #tpu.memory_space<vmem_shared>> -> memref<8x4096xf32, #tpu.memory_space<vmem_shared>>
    tpu.wait_dma2 semaphore(%arg6 : memref<!tpu.dma_semaphore, #tpu.memory_space<semaphore_mem>>) src(%dma_wait3A_699 : memref<8x4096xf32, #tpu.memory_space<vmem_shared>>) dst(%dma_wait3A_696 : memref<8x4096xf32, #tpu.memory_space<vmem>>)
    %add3A_700 = arith.constant 88 : i32
    %add3A_701 = arith.addi %mul3A_2, %add3A_700 : i32
    %dma_start3A_702 = arith.constant 2 : i32
    %dma_start3A_703 = arith.constant 0 : i32
    %dma_start3A_704 = arith.constant 0 : i32
    %dma_start3A_705 = tpu.memref_slice %arg5[%dma_start3A_702, %dma_start3A_703, %dma_start3A_704] : memref<3x8x4096xf32, #tpu.memory_space<vmem>> -> memref<1x8x4096xf32, #tpu.memory_space<vmem>>
    %dma_start3A_706 = tpu.memref_squeeze %dma_start3A_705 : memref<1x8x4096xf32, #tpu.memory_space<vmem>> -> memref<8x4096xf32, #tpu.memory_space<vmem>>
    %dma_start3A_707 = arith.constant 0 : i32
    %dma_start3A_708 = tpu.memref_slice %arg3[%add3A_701, %dma_start3A_707] : memref<4096x4096xf32, #tpu.memory_space<hbm>> -> memref<8x4096xf32, #tpu.memory_space<hbm>>
    %dma_start3A_709 = arith.constant 0 : i32
    %dma_start3A_710 = tpu.memref_slice %arg3[%add3A_701, %dma_start3A_709] : memref<4096x4096xf32, #tpu.memory_space<hbm>> -> memref<8x4096xf32, #tpu.memory_space<hbm>>
    %dma_start3A_711 = arith.constant 0 : i32
    %dma_start3A_712 = arith.constant 0 : i32
    %dma_start3A_713 = tpu.memref_slice %arg5[%dma_start3A_702, %dma_start3A_711, %dma_start3A_712] : memref<3x8x4096xf32, #tpu.memory_space<vmem>> -> memref<1x8x4096xf32, #tpu.memory_space<vmem>>
    %dma_start3A_714 = tpu.memref_squeeze %dma_start3A_713 : memref<1x8x4096xf32, #tpu.memory_space<vmem>> -> memref<8x4096xf32, #tpu.memory_space<vmem>>
    tpu.enqueue_dma source(%dma_start3A_714 : memref<8x4096xf32, #tpu.memory_space<vmem>>) target(%dma_start3A_710 : memref<8x4096xf32, #tpu.memory_space<hbm>>) target_semaphore(%arg7 : memref<!tpu.dma_semaphore, #tpu.memory_space<semaphore_mem>>)
    %barrier3A_715 = arith.constant 0 : index
    tpu.barrier barrier_id(%barrier3A_715)
    %lt3A_716 = arith.constant 4 : i32
    %lt3A_717 = arith.cmpi slt, %arg1, %lt3A_716 : i32
    %convert_element_type3A_718 = arith.extui %lt3A_717 : i1 to i32
    %cond3A_719 = arith.constant 0 : i32
    %cond3A_720 = arith.cmpi ne, %convert_element_type3A_718, %cond3A_719 : i32
    scf.if %cond3A_720 {
      %add3A_1005 = arith.constant 12 : i32
      %add3A_1006 = arith.addi %add3A_1005, %arg1 : i32
      %dma_start3A_1007 = arith.constant 0 : i32
      %dma_start3A_1008 = arith.constant 0 : i32
      %dma_start3A_1009 = tpu.memref_slice %arg4[%arg1, %dma_start3A_1007, %dma_start3A_1008] : memref<4x8x6144xf32, #tpu.memory_space<vmem_shared>> -> memref<1x8x6144xf32, #tpu.memory_space<vmem_shared>>
      %dma_start3A_1010 = tpu.memref_squeeze %dma_start3A_1009 : memref<1x8x6144xf32, #tpu.memory_space<vmem_shared>> -> memref<8x6144xf32, #tpu.memory_space<vmem_shared>>
      %dma_start3A_1011 = arith.constant 0 : i32
      %dma_start3A_1012 = tpu.memref_slice %arg2[%add3A_1006, %dma_start3A_1011, %mul3A_7] : memref<16x8x8192xf32, #tpu.memory_space<hbm>> -> memref<1x8x6144xf32, #tpu.memory_space<hbm>>
      %dma_start3A_1013 = tpu.memref_squeeze %dma_start3A_1012 : memref<1x8x6144xf32, #tpu.memory_space<hbm>> -> memref<8x6144xf32, #tpu.memory_space<hbm>>
      tpu.enqueue_dma source(%dma_start3A_1013 : memref<8x6144xf32, #tpu.memory_space<hbm>>) target(%dma_start3A_1010 : memref<8x6144xf32, #tpu.memory_space<vmem_shared>>) target_semaphore(%arg8 : memref<!tpu.dma_semaphore, #tpu.memory_space<semaphore_mem>>)
      %dma_wait3A_1014 = arith.constant 0 : i32
      %dma_wait3A_1015 = arith.constant 0 : i32
      %dma_wait3A_1016 = tpu.memref_slice %arg4[%arg1, %dma_wait3A_1014, %dma_wait3A_1015] : memref<4x8x6144xf32, #tpu.memory_space<vmem_shared>> -> memref<1x8x6144xf32, #tpu.memory_space<vmem_shared>>
      %dma_wait3A_1017 = tpu.memref_squeeze %dma_wait3A_1016 : memref<1x8x6144xf32, #tpu.memory_space<vmem_shared>> -> memref<8x6144xf32, #tpu.memory_space<vmem_shared>>
      %dma_wait3A_1018 = arith.constant 0 : i32
      %dma_wait3A_1019 = tpu.memref_slice %arg2[%add3A_1006, %dma_wait3A_1018, %mul3A_7] : memref<16x8x8192xf32, #tpu.memory_space<hbm>> -> memref<1x8x6144xf32, #tpu.memory_space<hbm>>
      %dma_wait3A_1020 = tpu.memref_squeeze %dma_wait3A_1019 : memref<1x8x6144xf32, #tpu.memory_space<hbm>> -> memref<8x6144xf32, #tpu.memory_space<hbm>>
      tpu.wait_dma2 semaphore(%arg8 : memref<!tpu.dma_semaphore, #tpu.memory_space<semaphore_mem>>) src(%dma_wait3A_1020 : memref<8x6144xf32, #tpu.memory_space<hbm>>) dst(%dma_wait3A_1017 : memref<8x6144xf32, #tpu.memory_space<vmem_shared>>)
    } else {
    }
    %barrier3A_721 = arith.constant 0 : index
    tpu.barrier barrier_id(%barrier3A_721)
    %dma_wait3A_722 = arith.constant 0 : i32
    %dma_wait3A_723 = arith.constant 0 : i32
    %dma_wait3A_724 = arith.constant 0 : i32
    %dma_wait3A_725 = tpu.memref_slice %arg5[%dma_wait3A_722, %dma_wait3A_723, %dma_wait3A_724] : memref<3x8x4096xf32, #tpu.memory_space<vmem>> -> memref<1x8x4096xf32, #tpu.memory_space<vmem>>
    %dma_wait3A_726 = tpu.memref_squeeze %dma_wait3A_725 : memref<1x8x4096xf32, #tpu.memory_space<vmem>> -> memref<8x4096xf32, #tpu.memory_space<vmem>>
    %dma_wait3A_727 = arith.constant 0 : i32
    %dma_wait3A_728 = tpu.memref_slice %arg3[%add3A_609, %dma_wait3A_727] : memref<4096x4096xf32, #tpu.memory_space<hbm>> -> memref<8x4096xf32, #tpu.memory_space<hbm>>
    %dma_wait3A_729 = arith.constant 0 : i32
    %dma_wait3A_730 = tpu.memref_slice %arg3[%add3A_609, %dma_wait3A_729] : memref<4096x4096xf32, #tpu.memory_space<hbm>> -> memref<8x4096xf32, #tpu.memory_space<hbm>>
    %dma_wait3A_731 = arith.constant 0 : i32
    %dma_wait3A_732 = arith.constant 0 : i32
    %dma_wait3A_733 = tpu.memref_slice %arg5[%dma_wait3A_722, %dma_wait3A_731, %dma_wait3A_732] : memref<3x8x4096xf32, #tpu.memory_space<vmem>> -> memref<1x8x4096xf32, #tpu.memory_space<vmem>>
    %dma_wait3A_734 = tpu.memref_squeeze %dma_wait3A_733 : memref<1x8x4096xf32, #tpu.memory_space<vmem>> -> memref<8x4096xf32, #tpu.memory_space<vmem>>
    tpu.wait_dma2 semaphore(%arg7 : memref<!tpu.dma_semaphore, #tpu.memory_space<semaphore_mem>>) src(%dma_wait3A_734 : memref<8x4096xf32, #tpu.memory_space<vmem>>) dst(%dma_wait3A_730 : memref<8x4096xf32, #tpu.memory_space<hbm>>)
    %sub3A_735 = arith.subi %sub3A_3, %mul3A_7 : i32
    %dma_start3A_736 = arith.constant 0 : i32
    %dma_start3A_737 = arith.constant 0 : i32
    %dma_start3A_738 = arith.constant 0 : i32
    %dma_start3A_739 = arith.constant 0 : i32
    %dma_start3A_740 = tpu.memref_slice %arg5[%dma_start3A_737, %dma_start3A_738, %dma_start3A_739] : memref<3x8x4096xf32, #tpu.memory_space<vmem>> -> memref<1x8x4096xf32, #tpu.memory_space<vmem>>
    %dma_start3A_741 = tpu.memref_squeeze %dma_start3A_740 : memref<1x8x4096xf32, #tpu.memory_space<vmem>> -> memref<8x4096xf32, #tpu.memory_space<vmem>>
    %dma_start3A_742 = arith.constant 0 : i32
    %dma_start3A_743 = tpu.memref_slice %arg4[%dma_start3A_736, %dma_start3A_742, %sub3A_735] : memref<4x8x6144xf32, #tpu.memory_space<vmem_shared>> -> memref<1x8x4096xf32, #tpu.memory_space<vmem_shared>>
    %dma_start3A_744 = tpu.memref_squeeze %dma_start3A_743 : memref<1x8x4096xf32, #tpu.memory_space<vmem_shared>> -> memref<8x4096xf32, #tpu.memory_space<vmem_shared>>
    %dma_start3A_745 = arith.constant 0 : i32
    %dma_start3A_746 = arith.constant 0 : i32
    %dma_start3A_747 = tpu.memref_slice %arg5[%dma_start3A_737, %dma_start3A_745, %dma_start3A_746] : memref<3x8x4096xf32, #tpu.memory_space<vmem>> -> memref<1x8x4096xf32, #tpu.memory_space<vmem>>
    %dma_start3A_748 = tpu.memref_squeeze %dma_start3A_747 : memref<1x8x4096xf32, #tpu.memory_space<vmem>> -> memref<8x4096xf32, #tpu.memory_space<vmem>>
    %dma_start3A_749 = arith.constant 0 : i32
    %dma_start3A_750 = tpu.memref_slice %arg4[%dma_start3A_736, %dma_start3A_749, %sub3A_735] : memref<4x8x6144xf32, #tpu.memory_space<vmem_shared>> -> memref<1x8x4096xf32, #tpu.memory_space<vmem_shared>>
    %dma_start3A_751 = tpu.memref_squeeze %dma_start3A_750 : memref<1x8x4096xf32, #tpu.memory_space<vmem_shared>> -> memref<8x4096xf32, #tpu.memory_space<vmem_shared>>
    tpu.enqueue_dma source(%dma_start3A_751 : memref<8x4096xf32, #tpu.memory_space<vmem_shared>>) target(%dma_start3A_748 : memref<8x4096xf32, #tpu.memory_space<vmem>>) target_semaphore(%arg6 : memref<!tpu.dma_semaphore, #tpu.memory_space<semaphore_mem>>)
    %dma_wait3A_752 = arith.constant 1 : i32
    %dma_wait3A_753 = arith.constant 0 : i32
    %dma_wait3A_754 = arith.constant 0 : i32
    %dma_wait3A_755 = tpu.memref_slice %arg5[%dma_wait3A_752, %dma_wait3A_753, %dma_wait3A_754] : memref<3x8x4096xf32, #tpu.memory_space<vmem>> -> memref<1x8x4096xf32, #tpu.memory_space<vmem>>
    %dma_wait3A_756 = tpu.memref_squeeze %dma_wait3A_755 : memref<1x8x4096xf32, #tpu.memory_space<vmem>> -> memref<8x4096xf32, #tpu.memory_space<vmem>>
    %dma_wait3A_757 = arith.constant 0 : i32
    %dma_wait3A_758 = tpu.memref_slice %arg3[%add3A_670, %dma_wait3A_757] : memref<4096x4096xf32, #tpu.memory_space<hbm>> -> memref<8x4096xf32, #tpu.memory_space<hbm>>
    %dma_wait3A_759 = arith.constant 0 : i32
    %dma_wait3A_760 = tpu.memref_slice %arg3[%add3A_670, %dma_wait3A_759] : memref<4096x4096xf32, #tpu.memory_space<hbm>> -> memref<8x4096xf32, #tpu.memory_space<hbm>>
    %dma_wait3A_761 = arith.constant 0 : i32
    %dma_wait3A_762 = arith.constant 0 : i32
    %dma_wait3A_763 = tpu.memref_slice %arg5[%dma_wait3A_752, %dma_wait3A_761, %dma_wait3A_762] : memref<3x8x4096xf32, #tpu.memory_space<vmem>> -> memref<1x8x4096xf32, #tpu.memory_space<vmem>>
    %dma_wait3A_764 = tpu.memref_squeeze %dma_wait3A_763 : memref<1x8x4096xf32, #tpu.memory_space<vmem>> -> memref<8x4096xf32, #tpu.memory_space<vmem>>
    tpu.wait_dma2 semaphore(%arg7 : memref<!tpu.dma_semaphore, #tpu.memory_space<semaphore_mem>>) src(%dma_wait3A_764 : memref<8x4096xf32, #tpu.memory_space<vmem>>) dst(%dma_wait3A_760 : memref<8x4096xf32, #tpu.memory_space<hbm>>)
    %sub3A_765 = arith.subi %sub3A_3, %mul3A_7 : i32
    %dma_start3A_766 = arith.constant 1 : i32
    %dma_start3A_767 = arith.constant 1 : i32
    %dma_start3A_768 = arith.constant 0 : i32
    %dma_start3A_769 = arith.constant 0 : i32
    %dma_start3A_770 = tpu.memref_slice %arg5[%dma_start3A_767, %dma_start3A_768, %dma_start3A_769] : memref<3x8x4096xf32, #tpu.memory_space<vmem>> -> memref<1x8x4096xf32, #tpu.memory_space<vmem>>
    %dma_start3A_771 = tpu.memref_squeeze %dma_start3A_770 : memref<1x8x4096xf32, #tpu.memory_space<vmem>> -> memref<8x4096xf32, #tpu.memory_space<vmem>>
    %dma_start3A_772 = arith.constant 0 : i32
    %dma_start3A_773 = tpu.memref_slice %arg4[%dma_start3A_766, %dma_start3A_772, %sub3A_765] : memref<4x8x6144xf32, #tpu.memory_space<vmem_shared>> -> memref<1x8x4096xf32, #tpu.memory_space<vmem_shared>>
    %dma_start3A_774 = tpu.memref_squeeze %dma_start3A_773 : memref<1x8x4096xf32, #tpu.memory_space<vmem_shared>> -> memref<8x4096xf32, #tpu.memory_space<vmem_shared>>
    %dma_start3A_775 = arith.constant 0 : i32
    %dma_start3A_776 = arith.constant 0 : i32
    %dma_start3A_777 = tpu.memref_slice %arg5[%dma_start3A_767, %dma_start3A_775, %dma_start3A_776] : memref<3x8x4096xf32, #tpu.memory_space<vmem>> -> memref<1x8x4096xf32, #tpu.memory_space<vmem>>
    %dma_start3A_778 = tpu.memref_squeeze %dma_start3A_777 : memref<1x8x4096xf32, #tpu.memory_space<vmem>> -> memref<8x4096xf32, #tpu.memory_space<vmem>>
    %dma_start3A_779 = arith.constant 0 : i32
    %dma_start3A_780 = tpu.memref_slice %arg4[%dma_start3A_766, %dma_start3A_779, %sub3A_765] : memref<4x8x6144xf32, #tpu.memory_space<vmem_shared>> -> memref<1x8x4096xf32, #tpu.memory_space<vmem_shared>>
    %dma_start3A_781 = tpu.memref_squeeze %dma_start3A_780 : memref<1x8x4096xf32, #tpu.memory_space<vmem_shared>> -> memref<8x4096xf32, #tpu.memory_space<vmem_shared>>
    tpu.enqueue_dma source(%dma_start3A_781 : memref<8x4096xf32, #tpu.memory_space<vmem_shared>>) target(%dma_start3A_778 : memref<8x4096xf32, #tpu.memory_space<vmem>>) target_semaphore(%arg6 : memref<!tpu.dma_semaphore, #tpu.memory_space<semaphore_mem>>)
    %dma_wait3A_782 = arith.constant 0 : i32
    %dma_wait3A_783 = arith.constant 0 : i32
    %dma_wait3A_784 = arith.constant 0 : i32
    %dma_wait3A_785 = arith.constant 0 : i32
    %dma_wait3A_786 = tpu.memref_slice %arg5[%dma_wait3A_783, %dma_wait3A_784, %dma_wait3A_785] : memref<3x8x4096xf32, #tpu.memory_space<vmem>> -> memref<1x8x4096xf32, #tpu.memory_space<vmem>>
    %dma_wait3A_787 = tpu.memref_squeeze %dma_wait3A_786 : memref<1x8x4096xf32, #tpu.memory_space<vmem>> -> memref<8x4096xf32, #tpu.memory_space<vmem>>
    %dma_wait3A_788 = arith.constant 0 : i32
    %dma_wait3A_789 = tpu.memref_slice %arg4[%dma_wait3A_782, %dma_wait3A_788, %sub3A_735] : memref<4x8x6144xf32, #tpu.memory_space<vmem_shared>> -> memref<1x8x4096xf32, #tpu.memory_space<vmem_shared>>
    %dma_wait3A_790 = tpu.memref_squeeze %dma_wait3A_789 : memref<1x8x4096xf32, #tpu.memory_space<vmem_shared>> -> memref<8x4096xf32, #tpu.memory_space<vmem_shared>>
    %dma_wait3A_791 = arith.constant 0 : i32
    %dma_wait3A_792 = arith.constant 0 : i32
    %dma_wait3A_793 = tpu.memref_slice %arg5[%dma_wait3A_783, %dma_wait3A_791, %dma_wait3A_792] : memref<3x8x4096xf32, #tpu.memory_space<vmem>> -> memref<1x8x4096xf32, #tpu.memory_space<vmem>>
    %dma_wait3A_794 = tpu.memref_squeeze %dma_wait3A_793 : memref<1x8x4096xf32, #tpu.memory_space<vmem>> -> memref<8x4096xf32, #tpu.memory_space<vmem>>
    %dma_wait3A_795 = arith.constant 0 : i32
    %dma_wait3A_796 = tpu.memref_slice %arg4[%dma_wait3A_782, %dma_wait3A_795, %sub3A_735] : memref<4x8x6144xf32, #tpu.memory_space<vmem_shared>> -> memref<1x8x4096xf32, #tpu.memory_space<vmem_shared>>
    %dma_wait3A_797 = tpu.memref_squeeze %dma_wait3A_796 : memref<1x8x4096xf32, #tpu.memory_space<vmem_shared>> -> memref<8x4096xf32, #tpu.memory_space<vmem_shared>>
    tpu.wait_dma2 semaphore(%arg6 : memref<!tpu.dma_semaphore, #tpu.memory_space<semaphore_mem>>) src(%dma_wait3A_797 : memref<8x4096xf32, #tpu.memory_space<vmem_shared>>) dst(%dma_wait3A_794 : memref<8x4096xf32, #tpu.memory_space<vmem>>)
    %add3A_798 = arith.constant 96 : i32
    %add3A_799 = arith.addi %mul3A_2, %add3A_798 : i32
    %dma_start3A_800 = arith.constant 0 : i32
    %dma_start3A_801 = arith.constant 0 : i32
    %dma_start3A_802 = arith.constant 0 : i32
    %dma_start3A_803 = tpu.memref_slice %arg5[%dma_start3A_800, %dma_start3A_801, %dma_start3A_802] : memref<3x8x4096xf32, #tpu.memory_space<vmem>> -> memref<1x8x4096xf32, #tpu.memory_space<vmem>>
    %dma_start3A_804 = tpu.memref_squeeze %dma_start3A_803 : memref<1x8x4096xf32, #tpu.memory_space<vmem>> -> memref<8x4096xf32, #tpu.memory_space<vmem>>
    %dma_start3A_805 = arith.constant 0 : i32
    %dma_start3A_806 = tpu.memref_slice %arg3[%add3A_799, %dma_start3A_805] : memref<4096x4096xf32, #tpu.memory_space<hbm>> -> memref<8x4096xf32, #tpu.memory_space<hbm>>
    %dma_start3A_807 = arith.constant 0 : i32
    %dma_start3A_808 = tpu.memref_slice %arg3[%add3A_799, %dma_start3A_807] : memref<4096x4096xf32, #tpu.memory_space<hbm>> -> memref<8x4096xf32, #tpu.memory_space<hbm>>
    %dma_start3A_809 = arith.constant 0 : i32
    %dma_start3A_810 = arith.constant 0 : i32
    %dma_start3A_811 = tpu.memref_slice %arg5[%dma_start3A_800, %dma_start3A_809, %dma_start3A_810] : memref<3x8x4096xf32, #tpu.memory_space<vmem>> -> memref<1x8x4096xf32, #tpu.memory_space<vmem>>
    %dma_start3A_812 = tpu.memref_squeeze %dma_start3A_811 : memref<1x8x4096xf32, #tpu.memory_space<vmem>> -> memref<8x4096xf32, #tpu.memory_space<vmem>>
    tpu.enqueue_dma source(%dma_start3A_812 : memref<8x4096xf32, #tpu.memory_space<vmem>>) target(%dma_start3A_808 : memref<8x4096xf32, #tpu.memory_space<hbm>>) target_semaphore(%arg7 : memref<!tpu.dma_semaphore, #tpu.memory_space<semaphore_mem>>)
    %dma_wait3A_813 = arith.constant 2 : i32
    %dma_wait3A_814 = arith.constant 0 : i32
    %dma_wait3A_815 = arith.constant 0 : i32
    %dma_wait3A_816 = tpu.memref_slice %arg5[%dma_wait3A_813, %dma_wait3A_814, %dma_wait3A_815] : memref<3x8x4096xf32, #tpu.memory_space<vmem>> -> memref<1x8x4096xf32, #tpu.memory_space<vmem>>
    %dma_wait3A_817 = tpu.memref_squeeze %dma_wait3A_816 : memref<1x8x4096xf32, #tpu.memory_space<vmem>> -> memref<8x4096xf32, #tpu.memory_space<vmem>>
    %dma_wait3A_818 = arith.constant 0 : i32
    %dma_wait3A_819 = tpu.memref_slice %arg3[%add3A_701, %dma_wait3A_818] : memref<4096x4096xf32, #tpu.memory_space<hbm>> -> memref<8x4096xf32, #tpu.memory_space<hbm>>
    %dma_wait3A_820 = arith.constant 0 : i32
    %dma_wait3A_821 = tpu.memref_slice %arg3[%add3A_701, %dma_wait3A_820] : memref<4096x4096xf32, #tpu.memory_space<hbm>> -> memref<8x4096xf32, #tpu.memory_space<hbm>>
    %dma_wait3A_822 = arith.constant 0 : i32
    %dma_wait3A_823 = arith.constant 0 : i32
    %dma_wait3A_824 = tpu.memref_slice %arg5[%dma_wait3A_813, %dma_wait3A_822, %dma_wait3A_823] : memref<3x8x4096xf32, #tpu.memory_space<vmem>> -> memref<1x8x4096xf32, #tpu.memory_space<vmem>>
    %dma_wait3A_825 = tpu.memref_squeeze %dma_wait3A_824 : memref<1x8x4096xf32, #tpu.memory_space<vmem>> -> memref<8x4096xf32, #tpu.memory_space<vmem>>
    tpu.wait_dma2 semaphore(%arg7 : memref<!tpu.dma_semaphore, #tpu.memory_space<semaphore_mem>>) src(%dma_wait3A_825 : memref<8x4096xf32, #tpu.memory_space<vmem>>) dst(%dma_wait3A_821 : memref<8x4096xf32, #tpu.memory_space<hbm>>)
    %sub3A_826 = arith.subi %sub3A_3, %mul3A_7 : i32
    %dma_start3A_827 = arith.constant 2 : i32
    %dma_start3A_828 = arith.constant 2 : i32
    %dma_start3A_829 = arith.constant 0 : i32
    %dma_start3A_830 = arith.constant 0 : i32
    %dma_start3A_831 = tpu.memref_slice %arg5[%dma_start3A_828, %dma_start3A_829, %dma_start3A_830] : memref<3x8x4096xf32, #tpu.memory_space<vmem>> -> memref<1x8x4096xf32, #tpu.memory_space<vmem>>
    %dma_start3A_832 = tpu.memref_squeeze %dma_start3A_831 : memref<1x8x4096xf32, #tpu.memory_space<vmem>> -> memref<8x4096xf32, #tpu.memory_space<vmem>>
    %dma_start3A_833 = arith.constant 0 : i32
    %dma_start3A_834 = tpu.memref_slice %arg4[%dma_start3A_827, %dma_start3A_833, %sub3A_826] : memref<4x8x6144xf32, #tpu.memory_space<vmem_shared>> -> memref<1x8x4096xf32, #tpu.memory_space<vmem_shared>>
    %dma_start3A_835 = tpu.memref_squeeze %dma_start3A_834 : memref<1x8x4096xf32, #tpu.memory_space<vmem_shared>> -> memref<8x4096xf32, #tpu.memory_space<vmem_shared>>
    %dma_start3A_836 = arith.constant 0 : i32
    %dma_start3A_837 = arith.constant 0 : i32
    %dma_start3A_838 = tpu.memref_slice %arg5[%dma_start3A_828, %dma_start3A_836, %dma_start3A_837] : memref<3x8x4096xf32, #tpu.memory_space<vmem>> -> memref<1x8x4096xf32, #tpu.memory_space<vmem>>
    %dma_start3A_839 = tpu.memref_squeeze %dma_start3A_838 : memref<1x8x4096xf32, #tpu.memory_space<vmem>> -> memref<8x4096xf32, #tpu.memory_space<vmem>>
    %dma_start3A_840 = arith.constant 0 : i32
    %dma_start3A_841 = tpu.memref_slice %arg4[%dma_start3A_827, %dma_start3A_840, %sub3A_826] : memref<4x8x6144xf32, #tpu.memory_space<vmem_shared>> -> memref<1x8x4096xf32, #tpu.memory_space<vmem_shared>>
    %dma_start3A_842 = tpu.memref_squeeze %dma_start3A_841 : memref<1x8x4096xf32, #tpu.memory_space<vmem_shared>> -> memref<8x4096xf32, #tpu.memory_space<vmem_shared>>
    tpu.enqueue_dma source(%dma_start3A_842 : memref<8x4096xf32, #tpu.memory_space<vmem_shared>>) target(%dma_start3A_839 : memref<8x4096xf32, #tpu.memory_space<vmem>>) target_semaphore(%arg6 : memref<!tpu.dma_semaphore, #tpu.memory_space<semaphore_mem>>)
    %dma_wait3A_843 = arith.constant 1 : i32
    %dma_wait3A_844 = arith.constant 1 : i32
    %dma_wait3A_845 = arith.constant 0 : i32
    %dma_wait3A_846 = arith.constant 0 : i32
    %dma_wait3A_847 = tpu.memref_slice %arg5[%dma_wait3A_844, %dma_wait3A_845, %dma_wait3A_846] : memref<3x8x4096xf32, #tpu.memory_space<vmem>> -> memref<1x8x4096xf32, #tpu.memory_space<vmem>>
    %dma_wait3A_848 = tpu.memref_squeeze %dma_wait3A_847 : memref<1x8x4096xf32, #tpu.memory_space<vmem>> -> memref<8x4096xf32, #tpu.memory_space<vmem>>
    %dma_wait3A_849 = arith.constant 0 : i32
    %dma_wait3A_850 = tpu.memref_slice %arg4[%dma_wait3A_843, %dma_wait3A_849, %sub3A_765] : memref<4x8x6144xf32, #tpu.memory_space<vmem_shared>> -> memref<1x8x4096xf32, #tpu.memory_space<vmem_shared>>
    %dma_wait3A_851 = tpu.memref_squeeze %dma_wait3A_850 : memref<1x8x4096xf32, #tpu.memory_space<vmem_shared>> -> memref<8x4096xf32, #tpu.memory_space<vmem_shared>>
    %dma_wait3A_852 = arith.constant 0 : i32
    %dma_wait3A_853 = arith.constant 0 : i32
    %dma_wait3A_854 = tpu.memref_slice %arg5[%dma_wait3A_844, %dma_wait3A_852, %dma_wait3A_853] : memref<3x8x4096xf32, #tpu.memory_space<vmem>> -> memref<1x8x4096xf32, #tpu.memory_space<vmem>>
    %dma_wait3A_855 = tpu.memref_squeeze %dma_wait3A_854 : memref<1x8x4096xf32, #tpu.memory_space<vmem>> -> memref<8x4096xf32, #tpu.memory_space<vmem>>
    %dma_wait3A_856 = arith.constant 0 : i32
    %dma_wait3A_857 = tpu.memref_slice %arg4[%dma_wait3A_843, %dma_wait3A_856, %sub3A_765] : memref<4x8x6144xf32, #tpu.memory_space<vmem_shared>> -> memref<1x8x4096xf32, #tpu.memory_space<vmem_shared>>
    %dma_wait3A_858 = tpu.memref_squeeze %dma_wait3A_857 : memref<1x8x4096xf32, #tpu.memory_space<vmem_shared>> -> memref<8x4096xf32, #tpu.memory_space<vmem_shared>>
    tpu.wait_dma2 semaphore(%arg6 : memref<!tpu.dma_semaphore, #tpu.memory_space<semaphore_mem>>) src(%dma_wait3A_858 : memref<8x4096xf32, #tpu.memory_space<vmem_shared>>) dst(%dma_wait3A_855 : memref<8x4096xf32, #tpu.memory_space<vmem>>)
    %add3A_859 = arith.constant 104 : i32
    %add3A_860 = arith.addi %mul3A_2, %add3A_859 : i32
    %dma_start3A_861 = arith.constant 1 : i32
    %dma_start3A_862 = arith.constant 0 : i32
    %dma_start3A_863 = arith.constant 0 : i32
    %dma_start3A_864 = tpu.memref_slice %arg5[%dma_start3A_861, %dma_start3A_862, %dma_start3A_863] : memref<3x8x4096xf32, #tpu.memory_space<vmem>> -> memref<1x8x4096xf32, #tpu.memory_space<vmem>>
    %dma_start3A_865 = tpu.memref_squeeze %dma_start3A_864 : memref<1x8x4096xf32, #tpu.memory_space<vmem>> -> memref<8x4096xf32, #tpu.memory_space<vmem>>
    %dma_start3A_866 = arith.constant 0 : i32
    %dma_start3A_867 = tpu.memref_slice %arg3[%add3A_860, %dma_start3A_866] : memref<4096x4096xf32, #tpu.memory_space<hbm>> -> memref<8x4096xf32, #tpu.memory_space<hbm>>
    %dma_start3A_868 = arith.constant 0 : i32
    %dma_start3A_869 = tpu.memref_slice %arg3[%add3A_860, %dma_start3A_868] : memref<4096x4096xf32, #tpu.memory_space<hbm>> -> memref<8x4096xf32, #tpu.memory_space<hbm>>
    %dma_start3A_870 = arith.constant 0 : i32
    %dma_start3A_871 = arith.constant 0 : i32
    %dma_start3A_872 = tpu.memref_slice %arg5[%dma_start3A_861, %dma_start3A_870, %dma_start3A_871] : memref<3x8x4096xf32, #tpu.memory_space<vmem>> -> memref<1x8x4096xf32, #tpu.memory_space<vmem>>
    %dma_start3A_873 = tpu.memref_squeeze %dma_start3A_872 : memref<1x8x4096xf32, #tpu.memory_space<vmem>> -> memref<8x4096xf32, #tpu.memory_space<vmem>>
    tpu.enqueue_dma source(%dma_start3A_873 : memref<8x4096xf32, #tpu.memory_space<vmem>>) target(%dma_start3A_869 : memref<8x4096xf32, #tpu.memory_space<hbm>>) target_semaphore(%arg7 : memref<!tpu.dma_semaphore, #tpu.memory_space<semaphore_mem>>)
    %dma_wait3A_874 = arith.constant 0 : i32
    %dma_wait3A_875 = arith.constant 0 : i32
    %dma_wait3A_876 = arith.constant 0 : i32
    %dma_wait3A_877 = tpu.memref_slice %arg5[%dma_wait3A_874, %dma_wait3A_875, %dma_wait3A_876] : memref<3x8x4096xf32, #tpu.memory_space<vmem>> -> memref<1x8x4096xf32, #tpu.memory_space<vmem>>
    %dma_wait3A_878 = tpu.memref_squeeze %dma_wait3A_877 : memref<1x8x4096xf32, #tpu.memory_space<vmem>> -> memref<8x4096xf32, #tpu.memory_space<vmem>>
    %dma_wait3A_879 = arith.constant 0 : i32
    %dma_wait3A_880 = tpu.memref_slice %arg3[%add3A_799, %dma_wait3A_879] : memref<4096x4096xf32, #tpu.memory_space<hbm>> -> memref<8x4096xf32, #tpu.memory_space<hbm>>
    %dma_wait3A_881 = arith.constant 0 : i32
    %dma_wait3A_882 = tpu.memref_slice %arg3[%add3A_799, %dma_wait3A_881] : memref<4096x4096xf32, #tpu.memory_space<hbm>> -> memref<8x4096xf32, #tpu.memory_space<hbm>>
    %dma_wait3A_883 = arith.constant 0 : i32
    %dma_wait3A_884 = arith.constant 0 : i32
    %dma_wait3A_885 = tpu.memref_slice %arg5[%dma_wait3A_874, %dma_wait3A_883, %dma_wait3A_884] : memref<3x8x4096xf32, #tpu.memory_space<vmem>> -> memref<1x8x4096xf32, #tpu.memory_space<vmem>>
    %dma_wait3A_886 = tpu.memref_squeeze %dma_wait3A_885 : memref<1x8x4096xf32, #tpu.memory_space<vmem>> -> memref<8x4096xf32, #tpu.memory_space<vmem>>
    tpu.wait_dma2 semaphore(%arg7 : memref<!tpu.dma_semaphore, #tpu.memory_space<semaphore_mem>>) src(%dma_wait3A_886 : memref<8x4096xf32, #tpu.memory_space<vmem>>) dst(%dma_wait3A_882 : memref<8x4096xf32, #tpu.memory_space<hbm>>)
    %sub3A_887 = arith.subi %sub3A_3, %mul3A_7 : i32
    %dma_start3A_888 = arith.constant 3 : i32
    %dma_start3A_889 = arith.constant 0 : i32
    %dma_start3A_890 = arith.constant 0 : i32
    %dma_start3A_891 = arith.constant 0 : i32
    %dma_start3A_892 = tpu.memref_slice %arg5[%dma_start3A_889, %dma_start3A_890, %dma_start3A_891] : memref<3x8x4096xf32, #tpu.memory_space<vmem>> -> memref<1x8x4096xf32, #tpu.memory_space<vmem>>
    %dma_start3A_893 = tpu.memref_squeeze %dma_start3A_892 : memref<1x8x4096xf32, #tpu.memory_space<vmem>> -> memref<8x4096xf32, #tpu.memory_space<vmem>>
    %dma_start3A_894 = arith.constant 0 : i32
    %dma_start3A_895 = tpu.memref_slice %arg4[%dma_start3A_888, %dma_start3A_894, %sub3A_887] : memref<4x8x6144xf32, #tpu.memory_space<vmem_shared>> -> memref<1x8x4096xf32, #tpu.memory_space<vmem_shared>>
    %dma_start3A_896 = tpu.memref_squeeze %dma_start3A_895 : memref<1x8x4096xf32, #tpu.memory_space<vmem_shared>> -> memref<8x4096xf32, #tpu.memory_space<vmem_shared>>
    %dma_start3A_897 = arith.constant 0 : i32
    %dma_start3A_898 = arith.constant 0 : i32
    %dma_start3A_899 = tpu.memref_slice %arg5[%dma_start3A_889, %dma_start3A_897, %dma_start3A_898] : memref<3x8x4096xf32, #tpu.memory_space<vmem>> -> memref<1x8x4096xf32, #tpu.memory_space<vmem>>
    %dma_start3A_900 = tpu.memref_squeeze %dma_start3A_899 : memref<1x8x4096xf32, #tpu.memory_space<vmem>> -> memref<8x4096xf32, #tpu.memory_space<vmem>>
    %dma_start3A_901 = arith.constant 0 : i32
    %dma_start3A_902 = tpu.memref_slice %arg4[%dma_start3A_888, %dma_start3A_901, %sub3A_887] : memref<4x8x6144xf32, #tpu.memory_space<vmem_shared>> -> memref<1x8x4096xf32, #tpu.memory_space<vmem_shared>>
    %dma_start3A_903 = tpu.memref_squeeze %dma_start3A_902 : memref<1x8x4096xf32, #tpu.memory_space<vmem_shared>> -> memref<8x4096xf32, #tpu.memory_space<vmem_shared>>
    tpu.enqueue_dma source(%dma_start3A_903 : memref<8x4096xf32, #tpu.memory_space<vmem_shared>>) target(%dma_start3A_900 : memref<8x4096xf32, #tpu.memory_space<vmem>>) target_semaphore(%arg6 : memref<!tpu.dma_semaphore, #tpu.memory_space<semaphore_mem>>)
    %dma_wait3A_904 = arith.constant 2 : i32
    %dma_wait3A_905 = arith.constant 2 : i32
    %dma_wait3A_906 = arith.constant 0 : i32
    %dma_wait3A_907 = arith.constant 0 : i32
    %dma_wait3A_908 = tpu.memref_slice %arg5[%dma_wait3A_905, %dma_wait3A_906, %dma_wait3A_907] : memref<3x8x4096xf32, #tpu.memory_space<vmem>> -> memref<1x8x4096xf32, #tpu.memory_space<vmem>>
    %dma_wait3A_909 = tpu.memref_squeeze %dma_wait3A_908 : memref<1x8x4096xf32, #tpu.memory_space<vmem>> -> memref<8x4096xf32, #tpu.memory_space<vmem>>
    %dma_wait3A_910 = arith.constant 0 : i32
    %dma_wait3A_911 = tpu.memref_slice %arg4[%dma_wait3A_904, %dma_wait3A_910, %sub3A_826] : memref<4x8x6144xf32, #tpu.memory_space<vmem_shared>> -> memref<1x8x4096xf32, #tpu.memory_space<vmem_shared>>
    %dma_wait3A_912 = tpu.memref_squeeze %dma_wait3A_911 : memref<1x8x4096xf32, #tpu.memory_space<vmem_shared>> -> memref<8x4096xf32, #tpu.memory_space<vmem_shared>>
    %dma_wait3A_913 = arith.constant 0 : i32
    %dma_wait3A_914 = arith.constant 0 : i32
    %dma_wait3A_915 = tpu.memref_slice %arg5[%dma_wait3A_905, %dma_wait3A_913, %dma_wait3A_914] : memref<3x8x4096xf32, #tpu.memory_space<vmem>> -> memref<1x8x4096xf32, #tpu.memory_space<vmem>>
    %dma_wait3A_916 = tpu.memref_squeeze %dma_wait3A_915 : memref<1x8x4096xf32, #tpu.memory_space<vmem>> -> memref<8x4096xf32, #tpu.memory_space<vmem>>
    %dma_wait3A_917 = arith.constant 0 : i32
    %dma_wait3A_918 = tpu.memref_slice %arg4[%dma_wait3A_904, %dma_wait3A_917, %sub3A_826] : memref<4x8x6144xf32, #tpu.memory_space<vmem_shared>> -> memref<1x8x4096xf32, #tpu.memory_space<vmem_shared>>
    %dma_wait3A_919 = tpu.memref_squeeze %dma_wait3A_918 : memref<1x8x4096xf32, #tpu.memory_space<vmem_shared>> -> memref<8x4096xf32, #tpu.memory_space<vmem_shared>>
    tpu.wait_dma2 semaphore(%arg6 : memref<!tpu.dma_semaphore, #tpu.memory_space<semaphore_mem>>) src(%dma_wait3A_919 : memref<8x4096xf32, #tpu.memory_space<vmem_shared>>) dst(%dma_wait3A_916 : memref<8x4096xf32, #tpu.memory_space<vmem>>)
    %add3A_920 = arith.constant 112 : i32
    %add3A_921 = arith.addi %mul3A_2, %add3A_920 : i32
    %dma_start3A_922 = arith.constant 2 : i32
    %dma_start3A_923 = arith.constant 0 : i32
    %dma_start3A_924 = arith.constant 0 : i32
    %dma_start3A_925 = tpu.memref_slice %arg5[%dma_start3A_922, %dma_start3A_923, %dma_start3A_924] : memref<3x8x4096xf32, #tpu.memory_space<vmem>> -> memref<1x8x4096xf32, #tpu.memory_space<vmem>>
    %dma_start3A_926 = tpu.memref_squeeze %dma_start3A_925 : memref<1x8x4096xf32, #tpu.memory_space<vmem>> -> memref<8x4096xf32, #tpu.memory_space<vmem>>
    %dma_start3A_927 = arith.constant 0 : i32
    %dma_start3A_928 = tpu.memref_slice %arg3[%add3A_921, %dma_start3A_927] : memref<4096x4096xf32, #tpu.memory_space<hbm>> -> memref<8x4096xf32, #tpu.memory_space<hbm>>
    %dma_start3A_929 = arith.constant 0 : i32
    %dma_start3A_930 = tpu.memref_slice %arg3[%add3A_921, %dma_start3A_929] : memref<4096x4096xf32, #tpu.memory_space<hbm>> -> memref<8x4096xf32, #tpu.memory_space<hbm>>
    %dma_start3A_931 = arith.constant 0 : i32
    %dma_start3A_932 = arith.constant 0 : i32
    %dma_start3A_933 = tpu.memref_slice %arg5[%dma_start3A_922, %dma_start3A_931, %dma_start3A_932] : memref<3x8x4096xf32, #tpu.memory_space<vmem>> -> memref<1x8x4096xf32, #tpu.memory_space<vmem>>
    %dma_start3A_934 = tpu.memref_squeeze %dma_start3A_933 : memref<1x8x4096xf32, #tpu.memory_space<vmem>> -> memref<8x4096xf32, #tpu.memory_space<vmem>>
    tpu.enqueue_dma source(%dma_start3A_934 : memref<8x4096xf32, #tpu.memory_space<vmem>>) target(%dma_start3A_930 : memref<8x4096xf32, #tpu.memory_space<hbm>>) target_semaphore(%arg7 : memref<!tpu.dma_semaphore, #tpu.memory_space<semaphore_mem>>)
    %dma_wait3A_935 = arith.constant 3 : i32
    %dma_wait3A_936 = arith.constant 0 : i32
    %dma_wait3A_937 = arith.constant 0 : i32
    %dma_wait3A_938 = arith.constant 0 : i32
    %dma_wait3A_939 = tpu.memref_slice %arg5[%dma_wait3A_936, %dma_wait3A_937, %dma_wait3A_938] : memref<3x8x4096xf32, #tpu.memory_space<vmem>> -> memref<1x8x4096xf32, #tpu.memory_space<vmem>>
    %dma_wait3A_940 = tpu.memref_squeeze %dma_wait3A_939 : memref<1x8x4096xf32, #tpu.memory_space<vmem>> -> memref<8x4096xf32, #tpu.memory_space<vmem>>
    %dma_wait3A_941 = arith.constant 0 : i32
    %dma_wait3A_942 = tpu.memref_slice %arg4[%dma_wait3A_935, %dma_wait3A_941, %sub3A_887] : memref<4x8x6144xf32, #tpu.memory_space<vmem_shared>> -> memref<1x8x4096xf32, #tpu.memory_space<vmem_shared>>
    %dma_wait3A_943 = tpu.memref_squeeze %dma_wait3A_942 : memref<1x8x4096xf32, #tpu.memory_space<vmem_shared>> -> memref<8x4096xf32, #tpu.memory_space<vmem_shared>>
    %dma_wait3A_944 = arith.constant 0 : i32
    %dma_wait3A_945 = arith.constant 0 : i32
    %dma_wait3A_946 = tpu.memref_slice %arg5[%dma_wait3A_936, %dma_wait3A_944, %dma_wait3A_945] : memref<3x8x4096xf32, #tpu.memory_space<vmem>> -> memref<1x8x4096xf32, #tpu.memory_space<vmem>>
    %dma_wait3A_947 = tpu.memref_squeeze %dma_wait3A_946 : memref<1x8x4096xf32, #tpu.memory_space<vmem>> -> memref<8x4096xf32, #tpu.memory_space<vmem>>
    %dma_wait3A_948 = arith.constant 0 : i32
    %dma_wait3A_949 = tpu.memref_slice %arg4[%dma_wait3A_935, %dma_wait3A_948, %sub3A_887] : memref<4x8x6144xf32, #tpu.memory_space<vmem_shared>> -> memref<1x8x4096xf32, #tpu.memory_space<vmem_shared>>
    %dma_wait3A_950 = tpu.memref_squeeze %dma_wait3A_949 : memref<1x8x4096xf32, #tpu.memory_space<vmem_shared>> -> memref<8x4096xf32, #tpu.memory_space<vmem_shared>>
    tpu.wait_dma2 semaphore(%arg6 : memref<!tpu.dma_semaphore, #tpu.memory_space<semaphore_mem>>) src(%dma_wait3A_950 : memref<8x4096xf32, #tpu.memory_space<vmem_shared>>) dst(%dma_wait3A_947 : memref<8x4096xf32, #tpu.memory_space<vmem>>)
    %add3A_951 = arith.constant 120 : i32
    %add3A_952 = arith.addi %mul3A_2, %add3A_951 : i32
    %dma_start3A_953 = arith.constant 0 : i32
    %dma_start3A_954 = arith.constant 0 : i32
    %dma_start3A_955 = arith.constant 0 : i32
    %dma_start3A_956 = tpu.memref_slice %arg5[%dma_start3A_953, %dma_start3A_954, %dma_start3A_955] : memref<3x8x4096xf32, #tpu.memory_space<vmem>> -> memref<1x8x4096xf32, #tpu.memory_space<vmem>>
    %dma_start3A_957 = tpu.memref_squeeze %dma_start3A_956 : memref<1x8x4096xf32, #tpu.memory_space<vmem>> -> memref<8x4096xf32, #tpu.memory_space<vmem>>
    %dma_start3A_958 = arith.constant 0 : i32
    %dma_start3A_959 = tpu.memref_slice %arg3[%add3A_952, %dma_start3A_958] : memref<4096x4096xf32, #tpu.memory_space<hbm>> -> memref<8x4096xf32, #tpu.memory_space<hbm>>
    %dma_start3A_960 = arith.constant 0 : i32
    %dma_start3A_961 = tpu.memref_slice %arg3[%add3A_952, %dma_start3A_960] : memref<4096x4096xf32, #tpu.memory_space<hbm>> -> memref<8x4096xf32, #tpu.memory_space<hbm>>
    %dma_start3A_962 = arith.constant 0 : i32
    %dma_start3A_963 = arith.constant 0 : i32
    %dma_start3A_964 = tpu.memref_slice %arg5[%dma_start3A_953, %dma_start3A_962, %dma_start3A_963] : memref<3x8x4096xf32, #tpu.memory_space<vmem>> -> memref<1x8x4096xf32, #tpu.memory_space<vmem>>
    %dma_start3A_965 = tpu.memref_squeeze %dma_start3A_964 : memref<1x8x4096xf32, #tpu.memory_space<vmem>> -> memref<8x4096xf32, #tpu.memory_space<vmem>>
    tpu.enqueue_dma source(%dma_start3A_965 : memref<8x4096xf32, #tpu.memory_space<vmem>>) target(%dma_start3A_961 : memref<8x4096xf32, #tpu.memory_space<hbm>>) target_semaphore(%arg7 : memref<!tpu.dma_semaphore, #tpu.memory_space<semaphore_mem>>)
    %dma_wait3A_966 = arith.constant 1 : i32
    %dma_wait3A_967 = arith.constant 0 : i32
    %dma_wait3A_968 = arith.constant 0 : i32
    %dma_wait3A_969 = tpu.memref_slice %arg5[%dma_wait3A_966, %dma_wait3A_967, %dma_wait3A_968] : memref<3x8x4096xf32, #tpu.memory_space<vmem>> -> memref<1x8x4096xf32, #tpu.memory_space<vmem>>
    %dma_wait3A_970 = tpu.memref_squeeze %dma_wait3A_969 : memref<1x8x4096xf32, #tpu.memory_space<vmem>> -> memref<8x4096xf32, #tpu.memory_space<vmem>>
    %dma_wait3A_971 = arith.constant 0 : i32
    %dma_wait3A_972 = tpu.memref_slice %arg3[%add3A_860, %dma_wait3A_971] : memref<4096x4096xf32, #tpu.memory_space<hbm>> -> memref<8x4096xf32, #tpu.memory_space<hbm>>
    %dma_wait3A_973 = arith.constant 0 : i32
    %dma_wait3A_974 = tpu.memref_slice %arg3[%add3A_860, %dma_wait3A_973] : memref<4096x4096xf32, #tpu.memory_space<hbm>> -> memref<8x4096xf32, #tpu.memory_space<hbm>>
    %dma_wait3A_975 = arith.constant 0 : i32
    %dma_wait3A_976 = arith.constant 0 : i32
    %dma_wait3A_977 = tpu.memref_slice %arg5[%dma_wait3A_966, %dma_wait3A_975, %dma_wait3A_976] : memref<3x8x4096xf32, #tpu.memory_space<vmem>> -> memref<1x8x4096xf32, #tpu.memory_space<vmem>>
    %dma_wait3A_978 = tpu.memref_squeeze %dma_wait3A_977 : memref<1x8x4096xf32, #tpu.memory_space<vmem>> -> memref<8x4096xf32, #tpu.memory_space<vmem>>
    tpu.wait_dma2 semaphore(%arg7 : memref<!tpu.dma_semaphore, #tpu.memory_space<semaphore_mem>>) src(%dma_wait3A_978 : memref<8x4096xf32, #tpu.memory_space<vmem>>) dst(%dma_wait3A_974 : memref<8x4096xf32, #tpu.memory_space<hbm>>)
    %dma_wait3A_979 = arith.constant 2 : i32
    %dma_wait3A_980 = arith.constant 0 : i32
    %dma_wait3A_981 = arith.constant 0 : i32
    %dma_wait3A_982 = tpu.memref_slice %arg5[%dma_wait3A_979, %dma_wait3A_980, %dma_wait3A_981] : memref<3x8x4096xf32, #tpu.memory_space<vmem>> -> memref<1x8x4096xf32, #tpu.memory_space<vmem>>
    %dma_wait3A_983 = tpu.memref_squeeze %dma_wait3A_982 : memref<1x8x4096xf32, #tpu.memory_space<vmem>> -> memref<8x4096xf32, #tpu.memory_space<vmem>>
    %dma_wait3A_984 = arith.constant 0 : i32
    %dma_wait3A_985 = tpu.memref_slice %arg3[%add3A_921, %dma_wait3A_984] : memref<4096x4096xf32, #tpu.memory_space<hbm>> -> memref<8x4096xf32, #tpu.memory_space<hbm>>
    %dma_wait3A_986 = arith.constant 0 : i32
    %dma_wait3A_987 = tpu.memref_slice %arg3[%add3A_921, %dma_wait3A_986] : memref<4096x4096xf32, #tpu.memory_space<hbm>> -> memref<8x4096xf32, #tpu.memory_space<hbm>>
    %dma_wait3A_988 = arith.constant 0 : i32
    %dma_wait3A_989 = arith.constant 0 : i32
    %dma_wait3A_990 = tpu.memref_slice %arg5[%dma_wait3A_979, %dma_wait3A_988, %dma_wait3A_989] : memref<3x8x4096xf32, #tpu.memory_space<vmem>> -> memref<1x8x4096xf32, #tpu.memory_space<vmem>>
    %dma_wait3A_991 = tpu.memref_squeeze %dma_wait3A_990 : memref<1x8x4096xf32, #tpu.memory_space<vmem>> -> memref<8x4096xf32, #tpu.memory_space<vmem>>
    tpu.wait_dma2 semaphore(%arg7 : memref<!tpu.dma_semaphore, #tpu.memory_space<semaphore_mem>>) src(%dma_wait3A_991 : memref<8x4096xf32, #tpu.memory_space<vmem>>) dst(%dma_wait3A_987 : memref<8x4096xf32, #tpu.memory_space<hbm>>)
    %dma_wait3A_992 = arith.constant 0 : i32
    %dma_wait3A_993 = arith.constant 0 : i32
    %dma_wait3A_994 = arith.constant 0 : i32
    %dma_wait3A_995 = tpu.memref_slice %arg5[%dma_wait3A_992, %dma_wait3A_993, %dma_wait3A_994] : memref<3x8x4096xf32, #tpu.memory_space<vmem>> -> memref<1x8x4096xf32, #tpu.memory_space<vmem>>
    %dma_wait3A_996 = tpu.memref_squeeze %dma_wait3A_995 : memref<1x8x4096xf32, #tpu.memory_space<vmem>> -> memref<8x4096xf32, #tpu.memory_space<vmem>>
    %dma_wait3A_997 = arith.constant 0 : i32
    %dma_wait3A_998 = tpu.memref_slice %arg3[%add3A_952, %dma_wait3A_997] : memref<4096x4096xf32, #tpu.memory_space<hbm>> -> memref<8x4096xf32, #tpu.memory_space<hbm>>
    %dma_wait3A_999 = arith.constant 0 : i32
    %dma_wait3A_1000 = tpu.memref_slice %arg3[%add3A_952, %dma_wait3A_999] : memref<4096x4096xf32, #tpu.memory_space<hbm>> -> memref<8x4096xf32, #tpu.memory_space<hbm>>
    %dma_wait3A_1001 = arith.constant 0 : i32
    %dma_wait3A_1002 = arith.constant 0 : i32
    %dma_wait3A_1003 = tpu.memref_slice %arg5[%dma_wait3A_992, %dma_wait3A_1001, %dma_wait3A_1002] : memref<3x8x4096xf32, #tpu.memory_space<vmem>> -> memref<1x8x4096xf32, #tpu.memory_space<vmem>>
    %dma_wait3A_1004 = tpu.memref_squeeze %dma_wait3A_1003 : memref<1x8x4096xf32, #tpu.memory_space<vmem>> -> memref<8x4096xf32, #tpu.memory_space<vmem>>
    tpu.wait_dma2 semaphore(%arg7 : memref<!tpu.dma_semaphore, #tpu.memory_space<semaphore_mem>>) src(%dma_wait3A_1004 : memref<8x4096xf32, #tpu.memory_space<vmem>>) dst(%dma_wait3A_1000 : memref<8x4096xf32, #tpu.memory_space<hbm>>)
    return
  }
}

</mosaic_0001>

<sc_bundles>
// kernel: kernel.3.cloned.1.call-start
scs
__scs_entry_jumppad:
0x0: {  	(pc) =	sbr.rel $0x88, $3  }
0x1: {  	(tag) =	ssettag $0x0;
	lr =	simm.s32 $0x1  }
0x2: {  	[smem:$0x3F9E] =	sst lr;
	_ =	strace $0xD0000000  }
0x3: {  	_ = 	snop  }
0x4: {  	_ = 	snop  }
0x5: {  	_ = 	snop  }
0x6: {  	_ = 	snop  }
0x7: {  	_ = 	snop  }
__scs_overlays_trampoline_lowered:
0x8: {  	[smem:$0x3FAD] =	sst s0  }
0x9: {  	[smem:$0x3FAE] =	sst s1  }
0xa: {  	[smem:$0x3FAF] =	sst s2  }
0xb: {  	[smem:$0x3FB0] =	sst s3  }
0xc: {  	[smem:$0x3FB1] =	sst s4  }
0xd: {  	[smem:$0x3FB2] =	sst s5  }
0xe: {  	[smem:$0x3FB3] =	sst s6  }
0xf: {  	[smem:$0x3FB4] =	sst s7  }
0x10: {  	[smem:$0x3FB5] =	sst s8  }
0x11: {  	[smem:$0x3FB6] =	sst s9;
	s0 =	simm.s32 @!p0 $0x0  }
0x12: {  	s1 =	sld [smem:$0x3F9C];
	s0 =	simm.s32 @p0 $0x1  }
0x13: {  	[smem:$0x3FB7] =	sst s0;
	s0 =	simm.s32 @!p1 $0x0  }
0x14: {  	s2 =	sld [smem:$0x3F9B];
	s0 =	simm.s32 @p1 $0x1  }
0x15: {  	[smem:$0x3FB8] =	sst s0;
	s0 =	simm.s32 @!p2 $0x0  }
0x16: {  	s3 =	sld [smem:$0x3FDB];
	s0 =	simm.s32 @p2 $0x1  }
0x17: {  	s4 =	simm.s32 $0x1BF5;
	[smem:$0x3FBA] =	sst s0  }
0x18: {  	s0 =	sld [smem:$0x3F9D];
	_ =	swait.ge [sflag:s4], $0x0  }
0x19: {  	s7 =	sld [smem:$0x3F9E]  }
0x1a: {  	s8 =	sadd.s32 $0xFFFFE003, lr  }
0x1b: {  	s9 =	sadd.s32 $0xFFFFFEF7, lr;
	s5 =	simm.s32 $0xFFFFFFFF;
	p2 =	slt.u32 s8, $0xFFFFF086  }
0x1c: {  	p1 =	slt.u32 s9, $0xF7A;
	s5 =	simm.s32 @!p2 $0x0  }
0x1d: {  	s5 =	simm.s32 @p1 $0x1;
	p0 =	seq.s32 s7, s2  }
0x1e: {  	s7 =	smul.u32 @!p0 $0xF7A, s2;
	p2 =	seq.s32 @!p0 s5, $0x0  }
0x1f: {  	s9 =	smul.u32 $0xF7A, s1;
	s8 =	simm.s32 @!p0 $0x1BF5;
	p2 =	por !p2, p0  }
0x20: {  	[sflag:s8] =	ssyncset.s32 @!p0 $0xFFFFF086;
	s6 =	sadd.s32 @!p0 s3, s7;
	s7 =	simm.s32 @!p0 $0x108  }
0x21: {  	s3 =	sadd.s32 s3, s9;
	s6 =	sadd.s32 @!p0 $0x88, s6;
	s7 =	simm.s32 @p2 $0x1082  }
0x22: {  	[simem:s7], [sflag:s8] =	dma.local @!p0 [hbm:s6], $0xF7A  }
0x23: {  	s9 =	sor.u32 $0xD0000000, s2;
	s6 =	simm.s32 $0x108;
	_ =	swait.ge @!p0 [sflag:s8], $0x0  }
0x24: {  	s3 =	sadd.s32 $0x88, s3;
	s6 =	simm.s32 @!p1 $0x1082;
	[sflag:s4] =	ssyncset.s32 $0xFFFFF086  }
0x25: {  	[simem:s6], [sflag:s4] =	dma.local [hbm:s3], $0xF7A  }
0x26: {  	[smem:$0x3F9E] =	sst s1;
	(tag) =	ssettag s2;
	_ =	strace s9  }
0x27: {  	s1 =	sld [smem:$0x3FAE]  }
0x28: {  	s2 =	sld [smem:$0x3FAF]  }
0x29: {  	s4 =	sld [smem:$0x3FB1]  }
0x2a: {  	p0 =	seq.s32 s5, $0x0;
	s5 =	sld [smem:$0x3FB2]  }
0x2b: {  	s6 =	sld [smem:$0x3FB3]  }
0x2c: {  	s7 =	sld [smem:$0x3FB4]  }
0x2d: {  	s3 =	simm.s32 $0x108;
	s8 =	sld [smem:$0x3FB5]  }
0x2e: {  	s3 =	simm.s32 @!p0 $0x1082;
	s9 =	sld [smem:$0x3FB6]  }
0x2f: {  	lr =	sadd.s32 s0, s3;
	s0 =	sld [smem:$0x3FAD]  }
0x30: {  	s3 =	sld [smem:$0x3FB0]  }
0x31: {  	[smem:$0x3FB9] =	sst s10  }
0x32: {  	s10 =	sld [smem:$0x3FB7];
	_ =	sdelay $0x3  }
0x33: {  	p0 =	seq.s32 s10, $0x1;
	s10 =	sld [smem:$0x3FB9];
	_ =	sdelay $0x3  }
0x34: {  	[smem:$0x3FB9] =	sst s10  }
0x35: {  	s10 =	sld [smem:$0x3FB8];
	_ =	sdelay $0x3  }
0x36: {  	p1 =	seq.s32 s10, $0x1;
	s10 =	sld [smem:$0x3FB9];
	_ =	sdelay $0x3  }
0x37: {  	[smem:$0x3FB9] =	sst s10  }
0x38: {  	s10 =	sld [smem:$0x3FBA]  }
0x39: {  	_ = 	snop;
	(pc) =	sbr.ind lr, $3  }
0x3a: {  	_ = 	snop  }
0x3b: {  	_ = 	snop  }
0x3c: {  	p2 =	seq.s32 s10, $0x1;
	s10 =	sld [smem:$0x3FB9]  }
0x3d: {  	_ =	shalt  }
0x3e: {  	_ =	shalt  }
0x3f: {  	_ =	shalt  }
0x40: {  	_ =	shalt  }
0x41: {  	_ =	shalt  }
0x42: {  	_ =	shalt  }
0x43: {  	_ =	shalt  }
0x44: {  	_ =	shalt  }
0x45: {  	_ =	shalt  }
0x46: {  	_ =	shalt  }
0x47: {  	_ =	shalt  }
0x48: {  	_ =	shalt  }
0x49: {  	_ =	shalt  }
0x4a: {  	_ =	shalt  }
0x4b: {  	_ =	shalt  }
0x4c: {  	_ =	shalt  }
0x4d: {  	_ =	shalt  }
0x4e: {  	_ =	shalt  }
0x4f: {  	_ =	shalt  }
0x50: {  	_ =	shalt  }
0x51: {  	_ =	shalt  }
0x52: {  	_ =	shalt  }
0x53: {  	_ =	shalt  }
0x54: {  	_ =	shalt  }
0x55: {  	_ =	shalt  }
0x56: {  	_ =	shalt  }
0x57: {  	_ =	shalt  }
0x58: {  	_ =	shalt  }
0x59: {  	_ =	shalt  }
0x5a: {  	_ =	shalt  }
0x5b: {  	_ =	shalt  }
0x5c: {  	_ =	shalt  }
0x5d: {  	_ =	shalt  }
0x5e: {  	_ =	shalt  }
0x5f: {  	_ =	shalt  }
0x60: {  	_ =	shalt  }
0x61: {  	_ =	shalt  }
0x62: {  	_ =	shalt  }
0x63: {  	_ =	shalt  }
0x64: {  	_ =	shalt  }
0x65: {  	_ =	shalt  }
0x66: {  	_ =	shalt  }
0x67: {  	_ =	shalt  }
0x68: {  	_ =	shalt  }
0x69: {  	_ =	shalt  }
0x6a: {  	_ =	shalt  }
0x6b: {  	_ =	shalt  }
0x6c: {  	_ =	shalt  }
0x6d: {  	_ =	shalt  }
0x6e: {  	_ =	shalt  }
0x6f: {  	_ =	shalt  }
0x70: {  	_ =	shalt  }
0x71: {  	_ =	shalt  }
0x72: {  	_ =	shalt  }
0x73: {  	_ =	shalt  }
0x74: {  	_ =	shalt  }
0x75: {  	_ =	shalt  }
0x76: {  	_ =	shalt  }
0x77: {  	_ =	shalt  }
0x78: {  	_ =	shalt  }
0x79: {  	_ =	shalt  }
0x7a: {  	_ =	shalt  }
0x7b: {  	_ =	shalt  }
0x7c: {  	_ =	shalt  }
0x7d: {  	_ =	shalt  }
0x7e: {  	_ =	shalt  }
0x7f: {  	_ =	shalt  }
0x80: {  	_ =	shalt  }
0x81: {  	_ =	shalt  }
0x82: {  	_ =	shalt  }
0x83: {  	_ =	shalt  }
0x84: {  	_ =	shalt  }
0x85: {  	_ =	shalt  }
0x86: {  	_ =	shalt  }
0x87: {  	_ =	shalt  }
.Lfunc_end0:
.L_simem_size_0:
called_computation_lowered:
.L_overlay_start_0:
0x88: {  	s2 =	sld [smem:$0x3FD9]  }
0x89: {  	s3 =	sld [smem:$0x3FFE];
	_ =	sdelay $0x1  }
0x8a: {  	s1 =	srdreg.scid  }
0x8b: {  	s0 =	sand.u32 $0x1, s1  }
0x8c: {  	s17 =	sshll.u32 s0, $0xA;
	s2 =	sadd.s32 s3, s2  }
0x8d: {  	s2 =	sadd.s32 s2, s17  }
0x8e: {  	[smem:$0x3FC5] =	sst s2  }
0x8f: {  	_ = 	snop  }
0x90: {  	s2 =	sld [smem:$0x3FD0];
	(tm) =	ssettm $0x1  }
0x91: {  	s18 =	sld [smem:$0x3FFB];
	_ =	sdelay $0x3  }
0x92: {  	_ =	strace s18  }
0x93: {  	s3 =	sld [smem:$0x3FFC];
	_ =	sdelay $0x3  }
0x94: {  	_ =	strace s3  }
0x95: {  	s3 =	sld [smem:$0x3FFD];
	_ =	sdelay $0x3  }
0x96: {  	_ =	strace s3  }
0x97: {  	_ =	strace $0x8FFFFFFF  }
0x98: {  	s19 =	sld [smem:$0x3FDB];
	_ =	sdelay $0x1  }
0x99: {  	s4 =	simm.s32 $_scs_section_size  }
0x9a: {  	s5 =	simm.s32 $_size__tile_overlayer_lowered;
	s6 =	simm.s32 $_tile_overlayer_lowered  }
0x9b: {  	s22 =	simm.s32 $0x1BFF;
	s21 =	sshll.u32 s6, $0x1;
	s3 =	sadd.s32 s4, s19  }
0x9c: {  	s7 =	simm.s32 $0x0;
	s20 =	sshll.u32 s5, $0x1;
	s5 =	sadd.s32 s21, s3  }
0x9d: {  	[timem:s7], [sflag:s22] =	dma.local [hbm:s5], s20  }
0x9e: {  	_ =	swait.ge [sflag:s22], s20  }
0x9f: {  	s4 =	ssub.s32 $0x0, s20;
	[sflag:s22] =	ssyncset.done $0x0  }
0xa0: {  	[sflag:s22] =	ssyncadd.s32 s4;
	_ =	sdelay $0x1  }
0xa1: {  	s23 =	simm.s32 $0x1B8B  }
0xa2: {  	_ =	swait.ge [sflag:s23], $0x1  }
0xa3: {  	[sflag:s23] =	ssyncset.done $0x0  }
0xa4: {  	s25 =	simm.s32 $0x1B8E;
	s24 =	sld [smem:$0x3FFE];
	[sflag:s23] =	ssyncadd.s32 $0xFFFFFFFF  }
0xa5: {  	s26 =	simm.s32 $execute0_lowered;
	[smem:$0x3FD2] =	sst s25  }
0xa6: {  	s5 =	sshll.u32 s26, $0x1;
	_ =	strace $0x80000046;
	[dreg:$0x1] =	wrdreg $0xFFFFFFFF  }
0xa7: {  	s28 =	simm.s32 $_size_execute0_lowered;
	s3 =	sadd.s32 s3, s5;
	[dreg:$0x0] =	wrdreg $0x0  }
0xa8: {  	s5 =	sshll.u32 s28, $0x1;
	[dreg:$0x2] =	wrdreg s3  }
0xa9: {  	[dreg:$0x3] =	wrdreg s5  }
0xaa: {  	[dreg:$0x4] =	wrdreg $0xC0  }
0xab: {  	_ =	task [dreg:s7], $0x5FFFF  }
0xac: {  	[dreg:$0x1] =	wrdreg $0xFFFFFFFF  }
0xad: {  	[dreg:$0x0] =	wrdreg $0x60  }
0xae: {  	[dreg:$0x2] =	wrdreg s24  }
0xaf: {  	[dreg:$0x3] =	wrdreg s2  }
0xb0: {  	[dreg:$0x4] =	wrdreg $0x0  }
0xb1: {  	[dreg:$0x5] =	wrdreg $0x9  }
0xb2: {  	_ =	task.clear_ibuf [dreg:s7], $0x6FFFF;
	_ =	strace $0x90000046  }
0xb3: {  	s29 =	simm.s32 $0x9;
	_ =	strace $0x80000048  }
0xb4: {  	_ =	swait.ge [sflag:s29], $0x1  }
0xb5: {  	[sflag:s29] =	ssyncadd.s32 $0xFFFFFFFF  }
0xb6: {  	_ =	strace $0x90000048  }
0xb7: {  	_ =	sfence  }
0xb8: {  	s30 =	sld [smem:$0x0];
	_ =	sdelay $0x2  }
0xb9: {  	s31 =	sshll.u32 s1, $0xD;
	s1 =	sshrl.u32 s1, $0x2  }
0xba: {  	s3 =	sand.u32 $0x4000, s31;
	s1 =	sadd.s32 s1, s30  }
0xbb: {  	s0 =	sor.u32 s3, s0;
	s1 =	sshll.u32 s1, $0x11  }
0xbc: {  	s0 =	sor.u32 s1, s0  }
0xbd: {  	s0 =	sadd.s32 $0x8F2B, s0  }
0xbe: {  	[sflag:s0] =	ssyncadd.remote.s32 $0x1  }
0xbf: {  	_ =	sfence.sel $0xFFFF  }
0xc0: {  	[dreg:$0x0] =	wrdreg $0xFFFFFFFF;
	(pc) =	sbr.abs _section_cstart, $3  }
0xc1: {  	[dreg:$0x1] =	wrdreg $0xFFFFFFFF  }
0xc2: {  	_ =	task.clear_ibuf [dreg:s7], $0x2FFFF;
	_ =	strace $0x9FFFFFFF  }
0xc3: {  	(tm) =	ssettm $0x7FFFFFFF  }
tec
execute0_lowered:
.L_overlay_start_1:
0x0: {  	(tag) =	ssettag $0x1  }
0x1: {  	s3 =	rddreg [dreg:$0x0]  }
0x2: {  	s4 =	rddreg [dreg:$0x1]  }
0x3: {  	s6 =	rddreg [dreg:$0x2]  }
0x4: {  	s0 =	rddreg [dreg:$0x3]  }
0x5: {  	s2 =	simm.s32 $0x0;
	s1 =	stileid.u32;
	s5 =	srdreg.scid  }
0x6: {  	[smem:$0x7FF] =	sst s2;
	s29 =	sand.u32 $0x1, s5;
	s17 =	smul.u32 $0x30000, s1  }
0x7: {  	s7 =	sshll.u32 s1, $0xD;
	s8 =	sshll.u32 s1, $0x7;
	s18 =	sshll.u32 s29, $0xB  }
0x8: {  	s3 =	sadd.s32 s7, s3;
	s7 =	sxor.u32 $0x800, s18;
	s5 =	sshrl.u32 s17, $0x2  }
0x9: {  	_ =	strace $0x80000047;
	s5 =	sadd.s32 s5, s6;
	s23 =	sadd.s32 s7, s3  }
0xa: {  	s8 =	sor.u32 s8, s18;
	[dreg:$0x4] =	wrdreg s5;
	s20 =	sadd.s32 $0xC00, s23  }
0xb: {  	s19 =	sshll.u32 s8, $0x9;
	s24 =	sadd.s32 $0x8C00, s23;
	[dreg:$0x5] =	wrdreg s20  }
0xc: {  	s3 =	sadd.s32 s4, s19;
	[dreg:$0x9] =	wrdreg s24  }
0xd: {  	s4 =	sadd.s32 $0x1000, s3;
	s9 =	rddreg [dreg:$0x4]  }
0xe: {  	s21 =	sadd.s32 $0x2000, s3;
	[dreg:$0x6] =	wrdreg s4  }
0xf: {  	p0 =	sgt.u32 s1, $0x3;
	s22 =	sadd.s32 $0x3000, s3;
	[dreg:$0x7] =	wrdreg s21  }
0x10: {  	s5 =	sshll.u32 @!p0 s1, $0x6;
	[dreg:$0x8] =	wrdreg s22  }
0x11: {  	s25 =	sadd.s32 $0x4000, s3;
	s5 =	sor.u32 @!p0 $0x1C03, s5;
	s10 =	rddreg [dreg:$0x5]  }
0x12: {  	[dreg:$0xa] =	wrdreg s25;
	s4 =	simm.s32 @!p0 $0x3;
	s24 =	sshrl.u32 @!p0 s9, $0x3  }
0x13: {  	[spmem:s24], [sflag:s5] =	dma.local @!p0 [hbm:s10], $0x1800  }
0x14: {  	s7 =	sadd.s32 s7, s8;
	_ =	swait.ge @!p0 [sflag:s4], $0x1800  }
0x15: {  	s7 =	sshll.u32 s7, $0x3;
	[sflag:s4] =	ssyncset.done @!p0 $0x0  }
0x16: {  	s14 =	ssub.s32 s6, s7;
	[sflag:s4] =	ssyncadd.s32 @!p0 $0xFFFFE800  }
0x17: {  	s7 =	simm.s32 $0x3000;
	s6 =	sadd.s32 $0x7C00, s14;
	[bflag:$0x0] =	sbarrier.arrive $0xFFFF  }
0x18: {  	[tilespmem:s7], [sflag:$0x1] =	stream.linear.gather [spmem:s6], $0x8000, $0x38;
	[tilespmem:$0x1B000] =	vst v63  }
0x19: {  	s8 =	sadd.s32 $0x13C00, s14;
	s9 =	simm.s32 $0xB000;
	s10 =	simm.s32 $0x1  }
0x1a: {  	[tilespmem:s9], [sflag:$0x1] =	stream.linear.gather [spmem:s8], $0x8000, $0x38;
	[tilespmem:$0x1B000] =	vst v63  }
0x1b: {  	_ =	swait.ge [sflag:s10], $0x8000  }
0x1c: {  	[sflag:s10] =	ssyncset.done $0x0  }
0x1d: {  	[sflag:s10] =	ssyncadd.s32 $0xFFFF8000  }
0x1e: {  	[hbm4b:s3+s2] =	stream.linear.scatter [tilespmem:s7], [sflag:$0x2], $0x8000, $0x38;
	[tilespmem:$0x1B000] =	vst v63  }
0x1f: {  	s12 =	simm.s32 $0x13000;
	s11 =	sadd.s32 $0x1FC00, s14  }
0x20: {  	[tilespmem:s12], [sflag:$0x1] =	stream.linear.gather [spmem:s11], $0x8000, $0x38;
	[tilespmem:$0x1B000] =	vst v63  }
0x21: {  	_ =	swait.ge [sflag:s10], $0x8000  }
0x22: {  	[sflag:s10] =	ssyncset.done $0x0  }
0x23: {  	s13 =	simm.s32 $0x2;
	s15 =	rddreg [dreg:$0x6];
	[sflag:s10] =	ssyncadd.s32 $0xFFFF8000  }
0x24: {  	[hbm4b:s15+s2] =	stream.linear.scatter [tilespmem:s9], [sflag:$0x2], $0x8000, $0x38;
	[tilespmem:$0x1B000] =	vst v63  }
0x25: {  	_ =	swait.ge [sflag:s13], $0x8000  }
0x26: {  	[sflag:s13] =	ssyncset.done $0x0  }
0x27: {  	s14 =	sadd.s32 $0x2BC00, s14;
	[sflag:s13] =	ssyncadd.s32 $0xFFFF8000  }
0x28: {  	[tilespmem:s7], [sflag:$0x1] =	stream.linear.gather [spmem:s14], $0x8000, $0x38;
	[tilespmem:$0x1B000] =	vst v63  }
0x29: {  	_ =	swait.ge [sflag:s10], $0x8000  }
0x2a: {  	[sflag:s10] =	ssyncset.done $0x0  }
0x2b: {  	s26 =	rddreg [dreg:$0x7];
	[sflag:s10] =	ssyncadd.s32 $0xFFFF8000  }
0x2c: {  	[hbm4b:s26+s2] =	stream.linear.scatter [tilespmem:s12], [sflag:$0x2], $0x8000, $0x38;
	[tilespmem:$0x1B000] =	vst v63  }
0x2d: {  	_ =	swait.ge [sflag:s10], $0x8000  }
0x2e: {  	[sflag:s10] =	ssyncset.done $0x0  }
0x2f: {  	s30 =	rddreg [dreg:$0x8];
	[sflag:s10] =	ssyncadd.s32 $0xFFFF8000  }
0x30: {  	[hbm4b:s30+s2] =	stream.linear.scatter [tilespmem:s7], [sflag:$0x2], $0x8000, $0x38;
	[tilespmem:$0x1B000] =	vst v63  }
0x31: {  	[bflag:$0x0] =	sbarrier.arrive $0xFFFF  }
0x32: {  	s15 =	rddreg [dreg:$0x9]  }
0x33: {  	[spmem:s24], [sflag:s5] =	dma.local @!p0 [hbm:s15], $0x1800  }
0x34: {  	_ =	swait.ge @!p0 [sflag:s4], $0x1800  }
0x35: {  	[sflag:s4] =	ssyncset.done @!p0 $0x0  }
0x36: {  	[sflag:s4] =	ssyncadd.s32 @!p0 $0xFFFFE800  }
0x37: {  	[bflag:$0x0] =	sbarrier.arrive $0xFFFF  }
0x38: {  	_ =	swait.ge [sflag:s13], $0x8000  }
0x39: {  	[sflag:s13] =	ssyncset.done $0x0  }
0x3a: {  	[sflag:s13] =	ssyncadd.s32 $0xFFFF8000  }
0x3b: {  	[tilespmem:s9], [sflag:$0x1] =	stream.linear.gather [spmem:s6], $0x8000, $0x38;
	[tilespmem:$0x1B000] =	vst v63  }
0x3c: {  	_ =	swait.ge [sflag:s13], $0x8000  }
0x3d: {  	[sflag:s13] =	ssyncset.done $0x0  }
0x3e: {  	[sflag:s13] =	ssyncadd.s32 $0xFFFF8000  }
0x3f: {  	[tilespmem:s12], [sflag:$0x1] =	stream.linear.gather [spmem:s8], $0x8000, $0x38;
	[tilespmem:$0x1B000] =	vst v63  }
0x40: {  	_ =	swait.ge [sflag:s10], $0x8000  }
0x41: {  	[sflag:s10] =	ssyncset.done $0x0  }
0x42: {  	s31 =	rddreg [dreg:$0xa];
	[sflag:s10] =	ssyncadd.s32 $0xFFFF8000  }
0x43: {  	[hbm4b:s31+s2] =	stream.linear.scatter [tilespmem:s9], [sflag:$0x2], $0x8000, $0x38;
	[tilespmem:$0x1B000] =	vst v63  }
0x44: {  	_ =	swait.ge [sflag:s13], $0x8000  }
0x45: {  	[sflag:s13] =	ssyncset.done $0x0  }
0x46: {  	[sflag:s13] =	ssyncadd.s32 $0xFFFF8000  }
0x47: {  	[tilespmem:s7], [sflag:$0x1] =	stream.linear.gather [spmem:s11], $0x8000, $0x38;
	[tilespmem:$0x1B000] =	vst v63  }
0x48: {  	_ =	swait.ge [sflag:s10], $0x8000  }
0x49: {  	[sflag:s10] =	ssyncset.done $0x0  }
0x4a: {  	s15 =	sadd.s32 $0x5000, s3;
	[sflag:s10] =	ssyncadd.s32 $0xFFFF8000  }
0x4b: {  	[hbm4b:s15+s2] =	stream.linear.scatter [tilespmem:s12], [sflag:$0x2], $0x8000, $0x38;
	[tilespmem:$0x1B000] =	vst v63  }
0x4c: {  	_ =	swait.ge [sflag:s13], $0x8000  }
0x4d: {  	[sflag:s13] =	ssyncset.done $0x0  }
0x4e: {  	[sflag:s13] =	ssyncadd.s32 $0xFFFF8000  }
0x4f: {  	[tilespmem:s9], [sflag:$0x1] =	stream.linear.gather [spmem:s14], $0x8000, $0x38;
	[tilespmem:$0x1B000] =	vst v63  }
0x50: {  	_ =	swait.ge [sflag:s10], $0x8000  }
0x51: {  	[sflag:s10] =	ssyncset.done $0x0  }
0x52: {  	s16 =	sadd.s32 $0x6000, s3;
	[sflag:s10] =	ssyncadd.s32 $0xFFFF8000  }
0x53: {  	[hbm4b:s16+s2] =	stream.linear.scatter [tilespmem:s7], [sflag:$0x2], $0x8000, $0x38;
	[tilespmem:$0x1B000] =	vst v63  }
0x54: {  	_ =	swait.ge [sflag:s10], $0x8000  }
0x55: {  	[sflag:s10] =	ssyncset.done $0x0  }
0x56: {  	s17 =	sadd.s32 $0x7000, s3;
	[sflag:s10] =	ssyncadd.s32 $0xFFFF8000  }
0x57: {  	[hbm4b:s17+s2] =	stream.linear.scatter [tilespmem:s9], [sflag:$0x2], $0x8000, $0x38;
	[tilespmem:$0x1B000] =	vst v63  }
0x58: {  	s18 =	sadd.s32 $0x10C00, s23;
	[bflag:$0x0] =	sbarrier.arrive $0xFFFF  }
0x59: {  	[spmem:s24], [sflag:s5] =	dma.local @!p0 [hbm:s18], $0x1800  }
0x5a: {  	_ =	swait.ge @!p0 [sflag:s4], $0x1800  }
0x5b: {  	[sflag:s4] =	ssyncset.done @!p0 $0x0  }
0x5c: {  	[sflag:s4] =	ssyncadd.s32 @!p0 $0xFFFFE800  }
0x5d: {  	[bflag:$0x0] =	sbarrier.arrive $0xFFFF  }
0x5e: {  	_ =	swait.ge [sflag:s13], $0x8000  }
0x5f: {  	[sflag:s13] =	ssyncset.done $0x0  }
0x60: {  	[sflag:s13] =	ssyncadd.s32 $0xFFFF8000  }
0x61: {  	[tilespmem:s12], [sflag:$0x1] =	stream.linear.gather [spmem:s6], $0x8000, $0x38;
	[tilespmem:$0x1B000] =	vst v63  }
0x62: {  	_ =	swait.ge [sflag:s13], $0x8000  }
0x63: {  	[sflag:s13] =	ssyncset.done $0x0  }
0x64: {  	[sflag:s13] =	ssyncadd.s32 $0xFFFF8000  }
0x65: {  	[tilespmem:s7], [sflag:$0x1] =	stream.linear.gather [spmem:s8], $0x8000, $0x38;
	[tilespmem:$0x1B000] =	vst v63  }
0x66: {  	_ =	swait.ge [sflag:s10], $0x8000  }
0x67: {  	[sflag:s10] =	ssyncset.done $0x0  }
0x68: {  	s19 =	sadd.s32 $0x8000, s3;
	[sflag:s10] =	ssyncadd.s32 $0xFFFF8000  }
0x69: {  	[hbm4b:s19+s2] =	stream.linear.scatter [tilespmem:s12], [sflag:$0x2], $0x8000, $0x38;
	[tilespmem:$0x1B000] =	vst v63  }
0x6a: {  	_ =	swait.ge [sflag:s13], $0x8000  }
0x6b: {  	[sflag:s13] =	ssyncset.done $0x0  }
0x6c: {  	[sflag:s13] =	ssyncadd.s32 $0xFFFF8000  }
0x6d: {  	[tilespmem:s9], [sflag:$0x1] =	stream.linear.gather [spmem:s11], $0x8000, $0x38;
	[tilespmem:$0x1B000] =	vst v63  }
0x6e: {  	_ =	swait.ge [sflag:s10], $0x8000  }
0x6f: {  	[sflag:s10] =	ssyncset.done $0x0  }
0x70: {  	s20 =	sadd.s32 $0x9000, s3;
	[sflag:s10] =	ssyncadd.s32 $0xFFFF8000  }
0x71: {  	[hbm4b:s20+s2] =	stream.linear.scatter [tilespmem:s7], [sflag:$0x2], $0x8000, $0x38;
	[tilespmem:$0x1B000] =	vst v63  }
0x72: {  	_ =	swait.ge [sflag:s13], $0x8000  }
0x73: {  	[sflag:s13] =	ssyncset.done $0x0  }
0x74: {  	[sflag:s13] =	ssyncadd.s32 $0xFFFF8000  }
0x75: {  	[tilespmem:s12], [sflag:$0x1] =	stream.linear.gather [spmem:s14], $0x8000, $0x38;
	[tilespmem:$0x1B000] =	vst v63  }
0x76: {  	_ =	swait.ge [sflag:s10], $0x8000  }
0x77: {  	[sflag:s10] =	ssyncset.done $0x0  }
0x78: {  	s21 =	sadd.s32 $0xA000, s3;
	[sflag:s10] =	ssyncadd.s32 $0xFFFF8000  }
0x79: {  	[hbm4b:s21+s2] =	stream.linear.scatter [tilespmem:s9], [sflag:$0x2], $0x8000, $0x38;
	[tilespmem:$0x1B000] =	vst v63  }
0x7a: {  	_ =	swait.ge [sflag:s10], $0x8000  }
0x7b: {  	[sflag:s10] =	ssyncset.done $0x0  }
0x7c: {  	s22 =	sadd.s32 $0xB000, s3;
	[sflag:s10] =	ssyncadd.s32 $0xFFFF8000  }
0x7d: {  	[hbm4b:s22+s2] =	stream.linear.scatter [tilespmem:s12], [sflag:$0x2], $0x8000, $0x38;
	[tilespmem:$0x1B000] =	vst v63  }
0x7e: {  	s23 =	sadd.s32 $0x18C00, s23;
	[bflag:$0x0] =	sbarrier.arrive $0xFFFF  }
0x7f: {  	[spmem:s24], [sflag:s5] =	dma.local @!p0 [hbm:s23], $0x1800  }
0x80: {  	_ =	swait.ge @!p0 [sflag:s4], $0x1800  }
0x81: {  	[sflag:s4] =	ssyncset.done @!p0 $0x0  }
0x82: {  	[sflag:s4] =	ssyncadd.s32 @!p0 $0xFFFFE800  }
0x83: {  	[bflag:$0x0] =	sbarrier.arrive $0xFFFF  }
0x84: {  	_ =	swait.ge [sflag:s13], $0x8000  }
0x85: {  	[sflag:s13] =	ssyncset.done $0x0  }
0x86: {  	[sflag:s13] =	ssyncadd.s32 $0xFFFF8000  }
0x87: {  	[tilespmem:s7], [sflag:$0x1] =	stream.linear.gather [spmem:s6], $0x8000, $0x38;
	[tilespmem:$0x1B000] =	vst v63  }
0x88: {  	_ =	swait.ge [sflag:s13], $0x8000  }
0x89: {  	[sflag:s13] =	ssyncset.done $0x0  }
0x8a: {  	[sflag:s13] =	ssyncadd.s32 $0xFFFF8000  }
0x8b: {  	[tilespmem:s9], [sflag:$0x1] =	stream.linear.gather [spmem:s8], $0x8000, $0x38;
	[tilespmem:$0x1B000] =	vst v63  }
0x8c: {  	_ =	swait.ge [sflag:s10], $0x8000  }
0x8d: {  	[sflag:s10] =	ssyncset.done $0x0  }
0x8e: {  	s24 =	sadd.s32 $0xC000, s3;
	[sflag:s10] =	ssyncadd.s32 $0xFFFF8000  }
0x8f: {  	[hbm4b:s24+s2] =	stream.linear.scatter [tilespmem:s7], [sflag:$0x2], $0x8000, $0x38;
	[tilespmem:$0x1B000] =	vst v63  }
0x90: {  	_ =	swait.ge [sflag:s13], $0x8000  }
0x91: {  	[sflag:s13] =	ssyncset.done $0x0  }
0x92: {  	[sflag:s13] =	ssyncadd.s32 $0xFFFF8000  }
0x93: {  	[tilespmem:s12], [sflag:$0x1] =	stream.linear.gather [spmem:s11], $0x8000, $0x38;
	[tilespmem:$0x1B000] =	vst v63  }
0x94: {  	_ =	swait.ge [sflag:s10], $0x8000  }
0x95: {  	[sflag:s10] =	ssyncset.done $0x0  }
0x96: {  	s25 =	sadd.s32 $0xD000, s3;
	[sflag:s10] =	ssyncadd.s32 $0xFFFF8000  }
0x97: {  	[hbm4b:s25+s2] =	stream.linear.scatter [tilespmem:s9], [sflag:$0x2], $0x8000, $0x38;
	[tilespmem:$0x1B000] =	vst v63  }
0x98: {  	_ =	swait.ge [sflag:s13], $0x8000  }
0x99: {  	[sflag:s13] =	ssyncset.done $0x0  }
0x9a: {  	[sflag:s13] =	ssyncadd.s32 $0xFFFF8000  }
0x9b: {  	[tilespmem:s7], [sflag:$0x1] =	stream.linear.gather [spmem:s14], $0x8000, $0x38;
	[tilespmem:$0x1B000] =	vst v63  }
0x9c: {  	_ =	swait.ge [sflag:s10], $0x8000  }
0x9d: {  	[sflag:s10] =	ssyncset.done $0x0  }
0x9e: {  	s29 =	ssub.s32 $0x2, s29;
	s26 =	sadd.s32 $0xE000, s3;
	[sflag:s10] =	ssyncadd.s32 $0xFFFF8000  }
0x9f: {  	[hbm4b:s26+s2] =	stream.linear.scatter [tilespmem:s12], [sflag:$0x2], $0x8000, $0x38;
	[tilespmem:$0x1B000] =	vst v63  }
0xa0: {  	s30 =	sshrl.u32 s29, $0x1;
	_ =	swait.ge [sflag:s10], $0x8000  }
0xa1: {  	s29 =	ssub.s32 s29, s30;
	[sflag:s10] =	ssyncset.done $0x0  }
0xa2: {  	s28 =	sadd.s32 $0xF000, s3;
	s29 =	smax.u32 s29, $0x1;
	[sflag:s10] =	ssyncadd.s32 $0xFFFF8000  }
0xa3: {  	[hbm4b:s28+s2] =	stream.linear.scatter [tilespmem:s7], [sflag:$0x2], $0x8000, $0x38;
	[tilespmem:$0x1B000] =	vst v63  }
0xa4: {  	s29 =	sadd.s32 $0xFFFFFFFF, s29;
	_ =	swait.ge [sflag:s13], $0x8000  }
0xa5: {  	p1 =	sne.s32 s29, $0x0;
	[sflag:s13] =	ssyncset.done $0x0  }
.Ltmp0:
0xa6: {  	[sflag:s13] =	ssyncadd.s32 $0xFFFF8000;
	(pc) =	sbr.rel @!p1 .LBB2_2-.Ltmp0, $4  }
0xa7: {  	_ =	swait.ge [sflag:s13], $0x8000  }
0xa8: {  	[sflag:s13] =	ssyncset.done $0x0  }
0xa9: {  	[sflag:s13] =	ssyncadd.s32 $0xFFFF8000  }
0xaa: {  	_ =	swait.ge [sflag:s13], $0x8000  }
.LBB2_1:
0xab: {  	s30 =	rddreg [dreg:$0x4];
	[sflag:s13] =	ssyncset.done $0x0  }
0xac: {  	s31 =	rddreg [dreg:$0x5];
	s30 =	sshrl.u32 @!p0 s30, $0x3;
	[sflag:s13] =	ssyncadd.s32 $0xFFFF8000  }
0xad: {  	[spmem:s30], [sflag:s5] =	dma.local @!p0 [hbm:s31], $0x1800  }
0xae: {  	_ =	swait.ge @!p0 [sflag:s4], $0x1800  }
0xaf: {  	[sflag:s4] =	ssyncset.done @!p0 $0x0  }
0xb0: {  	[sflag:s4] =	ssyncadd.s32 @!p0 $0xFFFFE800  }
0xb1: {  	[bflag:$0x0] =	sbarrier.arrive $0xFFFF  }
0xb2: {  	[tilespmem:s7], [sflag:$0x1] =	stream.linear.gather [spmem:s6], $0x8000, $0x38;
	[tilespmem:$0x1B000] =	vst v63  }
0xb3: {  	_ = 	snop  }
0xb4: {  	[tilespmem:s9], [sflag:$0x1] =	stream.linear.gather [spmem:s8], $0x8000, $0x38;
	[tilespmem:$0x1B000] =	vst v63  }
0xb5: {  	_ =	swait.ge [sflag:s10], $0x8000  }
0xb6: {  	[sflag:s10] =	ssyncset.done $0x0  }
0xb7: {  	[sflag:s10] =	ssyncadd.s32 $0xFFFF8000  }
0xb8: {  	[hbm4b:s3+s2] =	stream.linear.scatter [tilespmem:s7], [sflag:$0x2], $0x8000, $0x38;
	[tilespmem:$0x1B000] =	vst v63  }
0xb9: {  	_ = 	snop  }
0xba: {  	[tilespmem:s12], [sflag:$0x1] =	stream.linear.gather [spmem:s11], $0x8000, $0x38;
	[tilespmem:$0x1B000] =	vst v63  }
0xbb: {  	_ =	swait.ge [sflag:s10], $0x8000  }
0xbc: {  	[sflag:s10] =	ssyncset.done $0x0  }
0xbd: {  	s31 =	rddreg [dreg:$0x6];
	[sflag:s10] =	ssyncadd.s32 $0xFFFF8000  }
0xbe: {  	[hbm4b:s31+s2] =	stream.linear.scatter [tilespmem:s9], [sflag:$0x2], $0x8000, $0x38;
	[tilespmem:$0x1B000] =	vst v63  }
0xbf: {  	_ =	swait.ge [sflag:s13], $0x8000  }
0xc0: {  	[sflag:s13] =	ssyncset.done $0x0  }
0xc1: {  	[sflag:s13] =	ssyncadd.s32 $0xFFFF8000  }
0xc2: {  	[tilespmem:s7], [sflag:$0x1] =	stream.linear.gather [spmem:s14], $0x8000, $0x38;
	[tilespmem:$0x1B000] =	vst v63  }
0xc3: {  	_ =	swait.ge [sflag:s10], $0x8000  }
0xc4: {  	[sflag:s10] =	ssyncset.done $0x0  }
0xc5: {  	s31 =	rddreg [dreg:$0x7];
	[sflag:s10] =	ssyncadd.s32 $0xFFFF8000  }
0xc6: {  	[hbm4b:s31+s2] =	stream.linear.scatter [tilespmem:s12], [sflag:$0x2], $0x8000, $0x38;
	[tilespmem:$0x1B000] =	vst v63  }
0xc7: {  	_ =	swait.ge [sflag:s10], $0x8000  }
0xc8: {  	[sflag:s10] =	ssyncset.done $0x0  }
0xc9: {  	s31 =	rddreg [dreg:$0x8];
	[sflag:s10] =	ssyncadd.s32 $0xFFFF8000  }
0xca: {  	[hbm4b:s31+s2] =	stream.linear.scatter [tilespmem:s7], [sflag:$0x2], $0x8000, $0x38;
	[tilespmem:$0x1B000] =	vst v63  }
0xcb: {  	[bflag:$0x0] =	sbarrier.arrive $0xFFFF  }
0xcc: {  	s31 =	rddreg [dreg:$0x9]  }
0xcd: {  	[spmem:s30], [sflag:s5] =	dma.local @!p0 [hbm:s31], $0x1800  }
0xce: {  	_ =	swait.ge @!p0 [sflag:s4], $0x1800  }
0xcf: {  	[sflag:s4] =	ssyncset.done @!p0 $0x0  }
0xd0: {  	[sflag:s4] =	ssyncadd.s32 @!p0 $0xFFFFE800  }
0xd1: {  	[bflag:$0x0] =	sbarrier.arrive $0xFFFF  }
0xd2: {  	_ =	swait.ge [sflag:s13], $0x8000  }
0xd3: {  	[sflag:s13] =	ssyncset.done $0x0  }
0xd4: {  	[sflag:s13] =	ssyncadd.s32 $0xFFFF8000  }
0xd5: {  	[tilespmem:s9], [sflag:$0x1] =	stream.linear.gather [spmem:s6], $0x8000, $0x38;
	[tilespmem:$0x1B000] =	vst v63  }
0xd6: {  	_ =	swait.ge [sflag:s13], $0x8000  }
0xd7: {  	[sflag:s13] =	ssyncset.done $0x0  }
0xd8: {  	[sflag:s13] =	ssyncadd.s32 $0xFFFF8000  }
0xd9: {  	[tilespmem:s12], [sflag:$0x1] =	stream.linear.gather [spmem:s8], $0x8000, $0x38;
	[tilespmem:$0x1B000] =	vst v63  }
0xda: {  	_ =	swait.ge [sflag:s10], $0x8000  }
0xdb: {  	[sflag:s10] =	ssyncset.done $0x0  }
0xdc: {  	s31 =	rddreg [dreg:$0xa];
	[sflag:s10] =	ssyncadd.s32 $0xFFFF8000  }
0xdd: {  	[hbm4b:s31+s2] =	stream.linear.scatter [tilespmem:s9], [sflag:$0x2], $0x8000, $0x38;
	[tilespmem:$0x1B000] =	vst v63  }
0xde: {  	_ =	swait.ge [sflag:s13], $0x8000  }
0xdf: {  	[sflag:s13] =	ssyncset.done $0x0  }
0xe0: {  	[sflag:s13] =	ssyncadd.s32 $0xFFFF8000  }
0xe1: {  	[tilespmem:s7], [sflag:$0x1] =	stream.linear.gather [spmem:s11], $0x8000, $0x38;
	[tilespmem:$0x1B000] =	vst v63  }
0xe2: {  	_ =	swait.ge [sflag:s10], $0x8000  }
0xe3: {  	[sflag:s10] =	ssyncset.done $0x0  }
0xe4: {  	[sflag:s10] =	ssyncadd.s32 $0xFFFF8000  }
0xe5: {  	[hbm4b:s15+s2] =	stream.linear.scatter [tilespmem:s12], [sflag:$0x2], $0x8000, $0x38;
	[tilespmem:$0x1B000] =	vst v63  }
0xe6: {  	_ =	swait.ge [sflag:s13], $0x8000  }
0xe7: {  	[sflag:s13] =	ssyncset.done $0x0  }
0xe8: {  	[sflag:s13] =	ssyncadd.s32 $0xFFFF8000  }
0xe9: {  	[tilespmem:s9], [sflag:$0x1] =	stream.linear.gather [spmem:s14], $0x8000, $0x38;
	[tilespmem:$0x1B000] =	vst v63  }
0xea: {  	_ =	swait.ge [sflag:s10], $0x8000  }
0xeb: {  	[sflag:s10] =	ssyncset.done $0x0  }
0xec: {  	[sflag:s10] =	ssyncadd.s32 $0xFFFF8000  }
0xed: {  	[hbm4b:s16+s2] =	stream.linear.scatter [tilespmem:s7], [sflag:$0x2], $0x8000, $0x38;
	[tilespmem:$0x1B000] =	vst v63  }
0xee: {  	_ =	swait.ge [sflag:s10], $0x8000  }
0xef: {  	[sflag:s10] =	ssyncset.done $0x0  }
0xf0: {  	[sflag:s10] =	ssyncadd.s32 $0xFFFF8000  }
0xf1: {  	[hbm4b:s17+s2] =	stream.linear.scatter [tilespmem:s9], [sflag:$0x2], $0x8000, $0x38;
	[tilespmem:$0x1B000] =	vst v63  }
0xf2: {  	[bflag:$0x0] =	sbarrier.arrive $0xFFFF  }
0xf3: {  	[spmem:s30], [sflag:s5] =	dma.local @!p0 [hbm:s18], $0x1800  }
0xf4: {  	_ =	swait.ge @!p0 [sflag:s4], $0x1800  }
0xf5: {  	[sflag:s4] =	ssyncset.done @!p0 $0x0  }
0xf6: {  	[sflag:s4] =	ssyncadd.s32 @!p0 $0xFFFFE800  }
0xf7: {  	[bflag:$0x0] =	sbarrier.arrive $0xFFFF  }
0xf8: {  	_ =	swait.ge [sflag:s13], $0x8000  }
0xf9: {  	[sflag:s13] =	ssyncset.done $0x0  }
0xfa: {  	[sflag:s13] =	ssyncadd.s32 $0xFFFF8000  }
0xfb: {  	[tilespmem:s12], [sflag:$0x1] =	stream.linear.gather [spmem:s6], $0x8000, $0x38;
	[tilespmem:$0x1B000] =	vst v63  }
0xfc: {  	_ =	swait.ge [sflag:s13], $0x8000  }
0xfd: {  	[sflag:s13] =	ssyncset.done $0x0  }
0xfe: {  	[sflag:s13] =	ssyncadd.s32 $0xFFFF8000  }
0xff: {  	[tilespmem:s7], [sflag:$0x1] =	stream.linear.gather [spmem:s8], $0x8000, $0x38;
	[tilespmem:$0x1B000] =	vst v63  }
0x100: {  	_ =	swait.ge [sflag:s10], $0x8000  }
0x101: {  	[sflag:s10] =	ssyncset.done $0x0  }
0x102: {  	[sflag:s10] =	ssyncadd.s32 $0xFFFF8000  }
0x103: {  	[hbm4b:s19+s2] =	stream.linear.scatter [tilespmem:s12], [sflag:$0x2], $0x8000, $0x38;
	[tilespmem:$0x1B000] =	vst v63  }
0x104: {  	_ =	swait.ge [sflag:s13], $0x8000  }
0x105: {  	[sflag:s13] =	ssyncset.done $0x0  }
0x106: {  	[sflag:s13] =	ssyncadd.s32 $0xFFFF8000  }
0x107: {  	[tilespmem:s9], [sflag:$0x1] =	stream.linear.gather [spmem:s11], $0x8000, $0x38;
	[tilespmem:$0x1B000] =	vst v63  }
0x108: {  	_ =	swait.ge [sflag:s10], $0x8000  }
0x109: {  	[sflag:s10] =	ssyncset.done $0x0  }
0x10a: {  	[sflag:s10] =	ssyncadd.s32 $0xFFFF8000  }
0x10b: {  	[hbm4b:s20+s2] =	stream.linear.scatter [tilespmem:s7], [sflag:$0x2], $0x8000, $0x38;
	[tilespmem:$0x1B000] =	vst v63  }
0x10c: {  	_ =	swait.ge [sflag:s13], $0x8000  }
0x10d: {  	[sflag:s13] =	ssyncset.done $0x0  }
0x10e: {  	[sflag:s13] =	ssyncadd.s32 $0xFFFF8000  }
0x10f: {  	[tilespmem:s12], [sflag:$0x1] =	stream.linear.gather [spmem:s14], $0x8000, $0x38;
	[tilespmem:$0x1B000] =	vst v63  }
0x110: {  	_ =	swait.ge [sflag:s10], $0x8000  }
0x111: {  	[sflag:s10] =	ssyncset.done $0x0  }
0x112: {  	[sflag:s10] =	ssyncadd.s32 $0xFFFF8000  }
0x113: {  	[hbm4b:s21+s2] =	stream.linear.scatter [tilespmem:s9], [sflag:$0x2], $0x8000, $0x38;
	[tilespmem:$0x1B000] =	vst v63  }
0x114: {  	_ =	swait.ge [sflag:s10], $0x8000  }
0x115: {  	[sflag:s10] =	ssyncset.done $0x0  }
0x116: {  	[sflag:s10] =	ssyncadd.s32 $0xFFFF8000  }
0x117: {  	[hbm4b:s22+s2] =	stream.linear.scatter [tilespmem:s12], [sflag:$0x2], $0x8000, $0x38;
	[tilespmem:$0x1B000] =	vst v63  }
0x118: {  	[bflag:$0x0] =	sbarrier.arrive $0xFFFF  }
0x119: {  	[spmem:s30], [sflag:s5] =	dma.local @!p0 [hbm:s23], $0x1800  }
0x11a: {  	_ =	swait.ge @!p0 [sflag:s4], $0x1800  }
0x11b: {  	[sflag:s4] =	ssyncset.done @!p0 $0x0  }
0x11c: {  	[sflag:s4] =	ssyncadd.s32 @!p0 $0xFFFFE800  }
0x11d: {  	[bflag:$0x0] =	sbarrier.arrive $0xFFFF  }
0x11e: {  	_ =	swait.ge [sflag:s13], $0x8000  }
0x11f: {  	[sflag:s13] =	ssyncset.done $0x0  }
0x120: {  	[sflag:s13] =	ssyncadd.s32 $0xFFFF8000  }
0x121: {  	[tilespmem:s7], [sflag:$0x1] =	stream.linear.gather [spmem:s6], $0x8000, $0x38;
	[tilespmem:$0x1B000] =	vst v63  }
0x122: {  	_ =	swait.ge [sflag:s13], $0x8000  }
0x123: {  	[sflag:s13] =	ssyncset.done $0x0  }
0x124: {  	[sflag:s13] =	ssyncadd.s32 $0xFFFF8000  }
0x125: {  	[tilespmem:s9], [sflag:$0x1] =	stream.linear.gather [spmem:s8], $0x8000, $0x38;
	[tilespmem:$0x1B000] =	vst v63  }
0x126: {  	_ =	swait.ge [sflag:s10], $0x8000  }
0x127: {  	[sflag:s10] =	ssyncset.done $0x0  }
0x128: {  	[sflag:s10] =	ssyncadd.s32 $0xFFFF8000  }
0x129: {  	[hbm4b:s24+s2] =	stream.linear.scatter [tilespmem:s7], [sflag:$0x2], $0x8000, $0x38;
	[tilespmem:$0x1B000] =	vst v63  }
0x12a: {  	_ =	swait.ge [sflag:s13], $0x8000  }
0x12b: {  	[sflag:s13] =	ssyncset.done $0x0  }
0x12c: {  	[sflag:s13] =	ssyncadd.s32 $0xFFFF8000  }
0x12d: {  	[tilespmem:s12], [sflag:$0x1] =	stream.linear.gather [spmem:s11], $0x8000, $0x38;
	[tilespmem:$0x1B000] =	vst v63  }
0x12e: {  	_ =	swait.ge [sflag:s10], $0x8000  }
0x12f: {  	[sflag:s10] =	ssyncset.done $0x0  }
0x130: {  	[sflag:s10] =	ssyncadd.s32 $0xFFFF8000  }
0x131: {  	[hbm4b:s25+s2] =	stream.linear.scatter [tilespmem:s9], [sflag:$0x2], $0x8000, $0x38;
	[tilespmem:$0x1B000] =	vst v63  }
0x132: {  	_ =	swait.ge [sflag:s13], $0x8000  }
0x133: {  	[sflag:s13] =	ssyncset.done $0x0  }
0x134: {  	[sflag:s13] =	ssyncadd.s32 $0xFFFF8000  }
0x135: {  	[tilespmem:s7], [sflag:$0x1] =	stream.linear.gather [spmem:s14], $0x8000, $0x38;
	[tilespmem:$0x1B000] =	vst v63  }
0x136: {  	_ =	swait.ge [sflag:s10], $0x8000  }
0x137: {  	[sflag:s10] =	ssyncset.done $0x0  }
0x138: {  	[sflag:s10] =	ssyncadd.s32 $0xFFFF8000  }
0x139: {  	[hbm4b:s26+s2] =	stream.linear.scatter [tilespmem:s12], [sflag:$0x2], $0x8000, $0x38;
	[tilespmem:$0x1B000] =	vst v63  }
0x13a: {  	_ =	swait.ge [sflag:s10], $0x8000  }
0x13b: {  	[sflag:s10] =	ssyncset.done $0x0  }
0x13c: {  	[sflag:s10] =	ssyncadd.s32 $0xFFFF8000  }
0x13d: {  	[hbm4b:s28+s2] =	stream.linear.scatter [tilespmem:s7], [sflag:$0x2], $0x8000, $0x38;
	[tilespmem:$0x1B000] =	vst v63  }
0x13e: {  	s29 =	sadd.s32 $0xFFFFFFFF, s29;
	_ =	swait.ge [sflag:s13], $0x8000  }
0x13f: {  	p1 =	sne.s32 s29, $0x0;
	[sflag:s13] =	ssyncset.done $0x0  }
.Ltmp1:
0x140: {  	[sflag:s13] =	ssyncadd.s32 $0xFFFF8000;
	(pc) =	sbr.rel @p1 .LBB2_1-.Ltmp1, $4  }
0x141: {  	_ =	swait.ge [sflag:s13], $0x8000  }
0x142: {  	[sflag:s13] =	ssyncset.done $0x0  }
0x143: {  	[sflag:s13] =	ssyncadd.s32 $0xFFFF8000  }
0x144: {  	_ =	swait.ge [sflag:s13], $0x8000  }
.LBB2_2:
0x145: {  	[sflag:s13] =	ssyncset.done $0x0  }
0x146: {  	[sflag:s13] =	ssyncadd.s32 $0xFFFF8000  }
0x147: {  	_ =	sfence.sel $0x180000  }
0x148: {  	[bflag:$0x0] =	sbarrier.arrive $0xFFFF  }
0x149: {  	p0 =	sne.s32 s1, $0x0;
	_ =	strace $0x90000047  }
0x14a: {  	s0 =	sadd.s32 @!p0 $0x100000, s0;
	[bflag:$0x2] =	sbarrier.arrive $0xFFFF  }
0x14b: {  	[sflag:s0] =	ssyncadd.tile.s32 @!p0 $0x1;
	_ =	shalt  }
.Lfunc_end2:
_tile_overlayer_lowered:
.L_overlay_start_2:
0x14c: {  	(tag) =	ssettag $0x2  }
0x14d: {  	s0 =	rddreg [dreg:$0x0];
	s2 =	stileid.u32  }
0x14e: {  	s1 =	rddreg [dreg:$0x1];
	p0 =	sne.s32 s2, $0x0  }
0x14f: {  	s3 =	rddreg [dreg:$0x2];
	[bflag:$0x3] =	sbarrier.arrive $0xFFFF;
	s2 =	simm.s32 @!p0 $0x1C04  }
0x150: {  	[timem:s3], [sflag:s2] =	dma.local @!p0 [hbm:s0], s1  }
0x151: {  	s0 =	simm.s32 @!p0 $0x4  }
0x152: {  	_ =	swait.ge @!p0 [sflag:s0], s1  }
0x153: {  	s1 =	ssub.s32 @!p0 $0x0, s1;
	[sflag:s0] =	ssyncset.done @!p0 $0x0  }
0x154: {  	[sflag:s0] =	ssyncadd.s32 @!p0 s1  }
0x155: {  	[bflag:$0x3] =	sbarrier.arrive $0xFFFF  }
0x156: {  	_ =	shalt  }

</sc_bundles>
